<compile_context>
chip_gen: v7x
topology: tpu7x:2x2x1
jax: 0.10.2.dev20260603
libtpu: 0.0.44.dev20260713+nightly
codegen_flags: <defaults>
</compile_context>

<pallas_src>
import functools

import jax
import jax.numpy as jnp
from jax import lax
from jax.experimental import pallas as pl
from jax.experimental.pallas import tpu as pltpu
from jax.experimental.pallas import tpu_sc as plsc

B = 16
C = 96
H = 112
W = 112
ROW = C * H * W
K = ROW // 2

NC = 2
NS = 16
LANES = 16
NW = NC * NS
CPW = C // 2
PLANES_PER_W = 4
SAMPLES_PER_ROW = 2 * PLANES_PER_W * H * W
K_SAMPLE = SAMPLES_PER_ROW // 2

NBINS = 2048
LO = -0.125
HI = 0.125
BIN_W = (HI - LO) / NBINS
INV_W = NBINS / (HI - LO)
HIST_WORDS = LANES * NBINS


def _sc_hist_body(x_hbm, hist_hbm, buf0, buf1, hist_v, sem0, sem1):
    wid = lax.axis_index("s") * NC + lax.axis_index("c")
    row = wid // 2
    cbase = (wid % 2) * CPW
    stride = CPW // PLANES_PER_W

    lane = lax.iota(jnp.int32, LANES)
    lane_off = lane * NBINS
    ones = jnp.ones((LANES,), jnp.int32)
    zeros = jnp.zeros((LANES,), jnp.int32)

    def zero_body(i, carry):
        for u in range(8):
            hist_v[pl.ds((i * 8 + u) * LANES, LANES)] = zeros
        return carry

    lax.fori_loop(0, HIST_WORDS // LANES // 8, zero_body, 0)

    bufs = (buf0, buf1)
    sems = (sem0, sem1)

    def hist_plane(buf):
        def row_body(h, inner):
            for j in range(W // LANES):
                v = buf[h, pl.ds(j * LANES, LANES)]
                t = v * INV_W + (-LO * INV_W)
                t = jnp.minimum(jnp.maximum(t, 0.0), float(NBINS - 1))
                bkt = t.astype(jnp.int32)
                plsc.addupdate_scatter(hist_v, [lane_off + bkt], ones)
            return inner

        lax.fori_loop(0, H, row_body, 0)

    descs = [None, None]
    descs[0] = pltpu.async_copy(x_hbm.at[row, cbase], bufs[0], sems[0])
    for c in range(PLANES_PER_W):
        nxt = (c + 1) % 2
        if c + 1 < PLANES_PER_W:
            descs[nxt] = pltpu.async_copy(
                x_hbm.at[row, cbase + (c + 1) * stride], bufs[nxt], sems[nxt])
        descs[c % 2].wait()
        hist_plane(bufs[c % 2])

    def red_body(i, carry):
        acc = hist_v[pl.ds(i * LANES, LANES)]
        for l in range(1, LANES):
            acc = acc + hist_v[pl.ds(l * NBINS + i * LANES, LANES)]
        hist_v[pl.ds(i * LANES, LANES)] = acc
        return carry

    lax.fori_loop(0, NBINS // LANES, red_body, 0)
    pltpu.sync_copy(hist_v.at[pl.ds(0, NBINS)], hist_hbm.at[wid])


@functools.lru_cache(maxsize=1)
def _sc_hist():
    return functools.partial(
        pl.kernel,
        out_type=jax.ShapeDtypeStruct((NW, NBINS), jnp.int32),
        mesh=plsc.VectorSubcoreMesh(
            core_axis_name="c", subcore_axis_name="s",
            num_cores=NC, num_subcores=NS),
        scratch_types=[
            pltpu.VMEM((H, W), jnp.float32),
            pltpu.VMEM((H, W), jnp.float32),
            pltpu.VMEM((HIST_WORDS,), jnp.int32),
            pltpu.SemaphoreType.DMA,
            pltpu.SemaphoreType.DMA,
        ],
        compiler_params=pltpu.CompilerParams(needs_layout_passes=False),
    )(_sc_hist_body)


def _mask_body(hist_ref, x_ref, o_ref):
    b = pl.program_id(0)
    h = hist_ref[...].astype(jnp.float32)
    wsel = lax.broadcasted_iota(jnp.int32, (NW, NBINS), 0) // 2
    rows = jnp.where(wsel == b, h, 0.0).sum(axis=0)
    blocks = rows.reshape(NBINS // 128, 128)

    s = blocks.sum(axis=1, keepdims=True)
    q = lax.broadcasted_iota(jnp.int32, (NBINS // 128, NBINS // 128), 0)
    p = lax.broadcasted_iota(jnp.int32, (NBINS // 128, NBINS // 128), 1)
    tri_strict = (q > p).astype(jnp.float32)
    block_tail = jnp.dot(tri_strict.T, s)

    l1 = lax.broadcasted_iota(jnp.int32, (128, 128), 0)
    l2 = lax.broadcasted_iota(jnp.int32, (128, 128), 1)
    tri_incl = (l1 >= l2).astype(jnp.float32)
    within = jnp.dot(blocks, tri_incl)

    suffix = within + block_tail
    count = (suffix >= float(K_SAMPLE)).astype(jnp.float32).sum()
    thr = LO + (count - 1.0) * BIN_W

    x = x_ref[...]
    o_ref[...] = jnp.where(x >= thr, x, 0.0)


_mask_call = pl.pallas_call(
    _mask_body,
    grid=(B,),
    in_specs=[
        pl.BlockSpec((NW, NBINS), lambda b: (0, 0)),
        pl.BlockSpec((1, C, H, W), lambda b: (b, 0, 0, 0)),
    ],
    out_specs=pl.BlockSpec((1, C, H, W), lambda b: (b, 0, 0, 0)),
    out_shape=jax.ShapeDtypeStruct((B, C, H, W), jnp.float32),
    compiler_params=pltpu.CompilerParams(
        dimension_semantics=("arbitrary",)),
)


def kernel(x):
    hist = _sc_hist()(x)
    return _mask_call(hist, x)

# --- scband reference (transcript-rebuilt; emitter-appended) ---
"""Pipeline reference for scband-sparsify-vol2d-39109972198311 (READ-ONLY COPY).

The authoritative reference and input builder live on the scoring server;
editing this copy changes nothing except your own understanding.
"""

import jax, jax.numpy as jnp
import numpy as np

SR = 0.5

def setup_inputs(seed: int = 0) -> dict:
    key = jax.random.key(seed)
    x = jax.random.normal(key, (16, 96, 112, 112), dtype=jnp.float32)
    return {"x": x}

def reference(x):
    b = x.shape[0]
    size = x.shape[1] * x.shape[2] * x.shape[3]
    k = int(SR * size)
    tmpx = x.reshape(b, -1)
    # topk values, take k-th largest as threshold per row
    topval = jax.lax.top_k(tmpx, k)[0][:, -1]
    topval = topval[:, None, None, None]
    comp = (x >= topval).astype(x.dtype)
    return comp * x

if __name__ == "__main__":
    import jax
    _d = setup_inputs()
    print(jax.jit(kernel)(*tuple(_d.values())))

</pallas_src>

<mosaic_0001>
#map = affine_map<(d0, d1) -> (0, 0, 0, 0)>
#map1 = affine_map<(d0, d1) -> (0, 0)>
module attributes {stable_mosaic.version = 14 : i64} {
  func.func @_sc_hist_body(%arg0: i32, %arg1: i32, %arg2: memref<16x96x112x112xf32, #tpu.memory_space<hbm>>, %arg3: memref<32x2048xi32, #tpu.memory_space<hbm>>, %arg4: memref<112x112xf32, #tpu.memory_space<vmem>>, %arg5: memref<112x112xf32, #tpu.memory_space<vmem>>, %arg6: memref<32768xi32, #tpu.memory_space<vmem>>, %arg7: memref<!tpu.dma_semaphore, #tpu.memory_space<semaphore_mem>>, %arg8: memref<!tpu.dma_semaphore, #tpu.memory_space<semaphore_mem>>) attributes {dimension_semantics = [#tpu.dimension_semantics<core_parallel>, #tpu.dimension_semantics<subcore_parallel>], iteration_bounds = array<i64: 2, 16>, scalar_prefetch = 0 : i64, scratch_operands = 5 : i64, tpu.core_type = #tpu.core_type<sc_vector_subcore>, window_params = [{transform_indices = #map}, {transform_indices = #map1}]} {
    %mul3A = arith.constant 2 : i32
    %mul3A_0 = arith.muli %arg1, %mul3A : i32
    %add3A = arith.addi %mul3A_0, %arg0 : i32
    %jit3A = arith.constant 2 : i32
    %div3A = arith.divsi %add3A, %jit3A : i32
    %sign3A = arith.constant 0 : i32
    %sign3A_1 = arith.cmpi sgt, %add3A, %sign3A : i32
    %sign3A_2 = arith.extui %sign3A_1 : i1 to i32
    %sign3A_3 = arith.constant 0 : i32
    %sign3A_4 = arith.cmpi slt, %add3A, %sign3A_3 : i32
    %sign3A_5 = arith.extui %sign3A_4 : i1 to i32
    %sign3A_6 = arith.subi %sign3A_2, %sign3A_5 : i32
    %sign3A_7 = arith.constant 0 : i32
    %sign3A_8 = arith.cmpi sgt, %jit3A, %sign3A_7 : i32
    %sign3A_9 = arith.extui %sign3A_8 : i1 to i32
    %sign3A_10 = arith.constant 0 : i32
    %sign3A_11 = arith.cmpi slt, %jit3A, %sign3A_10 : i32
    %sign3A_12 = arith.extui %sign3A_11 : i1 to i32
    %sign3A_13 = arith.subi %sign3A_9, %sign3A_12 : i32
    %ne3A = arith.cmpi ne, %sign3A_6, %sign3A_13 : i32
    %rem3A = arith.remsi %add3A, %jit3A : i32
    %ne3A_14 = arith.constant 0 : i32
    %ne3A_15 = arith.cmpi ne, %rem3A, %ne3A_14 : i32
    %and3A = arith.andi %ne3A, %ne3A_15 : i1
    %sub3A = arith.constant 1 : i32
    %sub3A_16 = arith.subi %div3A, %sub3A : i32
    %select_n3A = arith.select %and3A, %sub3A_16, %div3A : i32
    %jit3A_17 = arith.constant 2 : i32
    %eq3A = arith.constant 0 : i32
    %eq3A_18 = arith.cmpi eq, %jit3A_17, %eq3A : i32
    %jit3A_19 = arith.constant 1 : i32
    %select_n3A_20 = arith.select %eq3A_18, %jit3A_19, %jit3A_17 : i32
    %rem3A_21 = arith.remsi %add3A, %select_n3A_20 : i32
    %ne3A_22 = arith.constant 0 : i32
    %ne3A_23 = arith.cmpi ne, %rem3A_21, %ne3A_22 : i32
    %lt3A = arith.constant 0 : i32
    %lt3A_24 = arith.cmpi slt, %rem3A_21, %lt3A : i32
    %lt3A_25 = arith.constant 0 : i32
    %lt3A_26 = arith.cmpi slt, %select_n3A_20, %lt3A_25 : i32
    %ne3A_27 = arith.xori %lt3A_24, %lt3A_26 : i1
    %and3A_28 = arith.andi %ne3A_27, %ne3A_23 : i1
    %add3A_29 = arith.addi %rem3A_21, %select_n3A_20 : i32
    %select_n3A_30 = arith.select %and3A_28, %add3A_29, %rem3A_21 : i32
    %mul3A_31 = arith.constant 48 : i32
    %mul3A_32 = arith.muli %select_n3A_30, %mul3A_31 : i32
    %iota3A = tpu.iota {dimensions = array<i32: 0>} : vector<16xi32>
    %mul3A_33 = arith.constant 2048 : i32
    %mul3A_34 = vector.broadcast %mul3A_33 : i32 to vector<16xi32>
    %mul3A_35 = arith.muli %iota3A, %mul3A_34 : vector<16xi32>
    %broadcast_in_dim3A = arith.constant 1 : i32
    %broadcast_in_dim3A_36 = vector.broadcast %broadcast_in_dim3A : i32 to vector<16xi32>
    %broadcast_in_dim3A_37 = arith.constant 0 : i32
    %broadcast_in_dim3A_38 = vector.broadcast %broadcast_in_dim3A_37 : i32 to vector<16xi32>
    %scan3A = arith.constant 0 : i32
    %scan3A_39 = arith.constant 0 : i32
    %scan3A_40 = arith.constant 256 : i32
    %scan3A_41 = arith.addi %scan3A_39, %scan3A_40 : i32
    %scan3A_42 = arith.constant 1 : i32
    scf.for %scan3A_142 = %scan3A_39 to %scan3A_41 step %scan3A_42  : i32 {
      %mul3A_143 = arith.constant 8 : i32
      %mul3A_144 = arith.muli %scan3A_142, %mul3A_143 : i32
      %add3A_145 = arith.constant 0 : i32
      %add3A_146 = arith.addi %mul3A_144, %add3A_145 : i32
      %mul3A_147 = arith.constant 16 : i32
      %mul3A_148 = arith.muli %add3A_146, %mul3A_147 : i32
      %swap3A = arith.index_cast %mul3A_148 : i32 to index
      %swap3A_149 = tpu.vector_load %arg6[%swap3A] {strides = array<i32>} : memref<32768xi32, #tpu.memory_space<vmem>>, vector<16xi32>,
      tpu.vector_store %arg6[%swap3A], %broadcast_in_dim3A_38 {strides = array<i32>} : memref<32768xi32, #tpu.memory_space<vmem>>, vector<16xi32>,
      %mul3A_150 = arith.constant 8 : i32
      %mul3A_151 = arith.muli %scan3A_142, %mul3A_150 : i32
      %add3A_152 = arith.constant 1 : i32
      %add3A_153 = arith.addi %mul3A_151, %add3A_152 : i32
      %mul3A_154 = arith.constant 16 : i32
      %mul3A_155 = arith.muli %add3A_153, %mul3A_154 : i32
      %swap3A_156 = arith.index_cast %mul3A_155 : i32 to index
      %swap3A_157 = tpu.vector_load %arg6[%swap3A_156] {strides = array<i32>} : memref<32768xi32, #tpu.memory_space<vmem>>, vector<16xi32>,
      tpu.vector_store %arg6[%swap3A_156], %broadcast_in_dim3A_38 {strides = array<i32>} : memref<32768xi32, #tpu.memory_space<vmem>>, vector<16xi32>,
      %mul3A_158 = arith.constant 8 : i32
      %mul3A_159 = arith.muli %scan3A_142, %mul3A_158 : i32
      %add3A_160 = arith.constant 2 : i32
      %add3A_161 = arith.addi %mul3A_159, %add3A_160 : i32
      %mul3A_162 = arith.constant 16 : i32
      %mul3A_163 = arith.muli %add3A_161, %mul3A_162 : i32
      %swap3A_164 = arith.index_cast %mul3A_163 : i32 to index
      %swap3A_165 = tpu.vector_load %arg6[%swap3A_164] {strides = array<i32>} : memref<32768xi32, #tpu.memory_space<vmem>>, vector<16xi32>,
      tpu.vector_store %arg6[%swap3A_164], %broadcast_in_dim3A_38 {strides = array<i32>} : memref<32768xi32, #tpu.memory_space<vmem>>, vector<16xi32>,
      %mul3A_166 = arith.constant 8 : i32
      %mul3A_167 = arith.muli %scan3A_142, %mul3A_166 : i32
      %add3A_168 = arith.constant 3 : i32
      %add3A_169 = arith.addi %mul3A_167, %add3A_168 : i32
      %mul3A_170 = arith.constant 16 : i32
      %mul3A_171 = arith.muli %add3A_169, %mul3A_170 : i32
      %swap3A_172 = arith.index_cast %mul3A_171 : i32 to index
      %swap3A_173 = tpu.vector_load %arg6[%swap3A_172] {strides = array<i32>} : memref<32768xi32, #tpu.memory_space<vmem>>, vector<16xi32>,
      tpu.vector_store %arg6[%swap3A_172], %broadcast_in_dim3A_38 {strides = array<i32>} : memref<32768xi32, #tpu.memory_space<vmem>>, vector<16xi32>,
      %mul3A_174 = arith.constant 8 : i32
      %mul3A_175 = arith.muli %scan3A_142, %mul3A_174 : i32
      %add3A_176 = arith.constant 4 : i32
      %add3A_177 = arith.addi %mul3A_175, %add3A_176 : i32
      %mul3A_178 = arith.constant 16 : i32
      %mul3A_179 = arith.muli %add3A_177, %mul3A_178 : i32
      %swap3A_180 = arith.index_cast %mul3A_179 : i32 to index
      %swap3A_181 = tpu.vector_load %arg6[%swap3A_180] {strides = array<i32>} : memref<32768xi32, #tpu.memory_space<vmem>>, vector<16xi32>,
      tpu.vector_store %arg6[%swap3A_180], %broadcast_in_dim3A_38 {strides = array<i32>} : memref<32768xi32, #tpu.memory_space<vmem>>, vector<16xi32>,
      %mul3A_182 = arith.constant 8 : i32
      %mul3A_183 = arith.muli %scan3A_142, %mul3A_182 : i32
      %add3A_184 = arith.constant 5 : i32
      %add3A_185 = arith.addi %mul3A_183, %add3A_184 : i32
      %mul3A_186 = arith.constant 16 : i32
      %mul3A_187 = arith.muli %add3A_185, %mul3A_186 : i32
      %swap3A_188 = arith.index_cast %mul3A_187 : i32 to index
      %swap3A_189 = tpu.vector_load %arg6[%swap3A_188] {strides = array<i32>} : memref<32768xi32, #tpu.memory_space<vmem>>, vector<16xi32>,
      tpu.vector_store %arg6[%swap3A_188], %broadcast_in_dim3A_38 {strides = array<i32>} : memref<32768xi32, #tpu.memory_space<vmem>>, vector<16xi32>,
      %mul3A_190 = arith.constant 8 : i32
      %mul3A_191 = arith.muli %scan3A_142, %mul3A_190 : i32
      %add3A_192 = arith.constant 6 : i32
      %add3A_193 = arith.addi %mul3A_191, %add3A_192 : i32
      %mul3A_194 = arith.constant 16 : i32
      %mul3A_195 = arith.muli %add3A_193, %mul3A_194 : i32
      %swap3A_196 = arith.index_cast %mul3A_195 : i32 to index
      %swap3A_197 = tpu.vector_load %arg6[%swap3A_196] {strides = array<i32>} : memref<32768xi32, #tpu.memory_space<vmem>>, vector<16xi32>,
      tpu.vector_store %arg6[%swap3A_196], %broadcast_in_dim3A_38 {strides = array<i32>} : memref<32768xi32, #tpu.memory_space<vmem>>, vector<16xi32>,
      %mul3A_198 = arith.constant 8 : i32
      %mul3A_199 = arith.muli %scan3A_142, %mul3A_198 : i32
      %add3A_200 = arith.constant 7 : i32
      %add3A_201 = arith.addi %mul3A_199, %add3A_200 : i32
      %mul3A_202 = arith.constant 16 : i32
      %mul3A_203 = arith.muli %add3A_201, %mul3A_202 : i32
      %swap3A_204 = arith.index_cast %mul3A_203 : i32 to index
      %swap3A_205 = tpu.vector_load %arg6[%swap3A_204] {strides = array<i32>} : memref<32768xi32, #tpu.memory_space<vmem>>, vector<16xi32>,
      tpu.vector_store %arg6[%swap3A_204], %broadcast_in_dim3A_38 {strides = array<i32>} : memref<32768xi32, #tpu.memory_space<vmem>>, vector<16xi32>,
    }
    %scan3A_43 = arith.constant 256 : i32
    %dma_start3A = arith.constant 0 : i32
    %dma_start3A_44 = arith.constant 0 : i32
    %dma_start3A_45 = tpu.memref_slice %arg2[%select_n3A, %mul3A_32, %dma_start3A, %dma_start3A_44] : memref<16x96x112x112xf32, #tpu.memory_space<hbm>> -> memref<1x1x112x112xf32, #tpu.memory_space<hbm>>
    %dma_start3A_46 = tpu.memref_squeeze %dma_start3A_45 : memref<1x1x112x112xf32, #tpu.memory_space<hbm>> -> memref<112x112xf32, #tpu.memory_space<hbm>>
    %dma_start3A_47 = arith.constant 0 : i32
    %dma_start3A_48 = arith.constant 0 : i32
    %dma_start3A_49 = tpu.memref_slice %arg2[%select_n3A, %mul3A_32, %dma_start3A_47, %dma_start3A_48] : memref<16x96x112x112xf32, #tpu.memory_space<hbm>> -> memref<1x1x112x112xf32, #tpu.memory_space<hbm>>
    %dma_start3A_50 = tpu.memref_squeeze %dma_start3A_49 : memref<1x1x112x112xf32, #tpu.memory_space<hbm>> -> memref<112x112xf32, #tpu.memory_space<hbm>>
    tpu.enqueue_dma source(%dma_start3A_50 : memref<112x112xf32, #tpu.memory_space<hbm>>) target(%arg4 : memref<112x112xf32, #tpu.memory_space<vmem>>) target_semaphore(%arg7 : memref<!tpu.dma_semaphore, #tpu.memory_space<semaphore_mem>>)
    %add3A_51 = arith.constant 12 : i32
    %add3A_52 = arith.addi %mul3A_32, %add3A_51 : i32
    %dma_start3A_53 = arith.constant 0 : i32
    %dma_start3A_54 = arith.constant 0 : i32
    %dma_start3A_55 = tpu.memref_slice %arg2[%select_n3A, %add3A_52, %dma_start3A_53, %dma_start3A_54] : memref<16x96x112x112xf32, #tpu.memory_space<hbm>> -> memref<1x1x112x112xf32, #tpu.memory_space<hbm>>
    %dma_start3A_56 = tpu.memref_squeeze %dma_start3A_55 : memref<1x1x112x112xf32, #tpu.memory_space<hbm>> -> memref<112x112xf32, #tpu.memory_space<hbm>>
    %dma_start3A_57 = arith.constant 0 : i32
    %dma_start3A_58 = arith.constant 0 : i32
    %dma_start3A_59 = tpu.memref_slice %arg2[%select_n3A, %add3A_52, %dma_start3A_57, %dma_start3A_58] : memref<16x96x112x112xf32, #tpu.memory_space<hbm>> -> memref<1x1x112x112xf32, #tpu.memory_space<hbm>>
    %dma_start3A_60 = tpu.memref_squeeze %dma_start3A_59 : memref<1x1x112x112xf32, #tpu.memory_space<hbm>> -> memref<112x112xf32, #tpu.memory_space<hbm>>
    tpu.enqueue_dma source(%dma_start3A_60 : memref<112x112xf32, #tpu.memory_space<hbm>>) target(%arg5 : memref<112x112xf32, #tpu.memory_space<vmem>>) target_semaphore(%arg8 : memref<!tpu.dma_semaphore, #tpu.memory_space<semaphore_mem>>)
    %dma_wait3A = arith.constant 0 : i32
    %dma_wait3A_61 = arith.constant 0 : i32
    %dma_wait3A_62 = tpu.memref_slice %arg2[%select_n3A, %mul3A_32, %dma_wait3A, %dma_wait3A_61] : memref<16x96x112x112xf32, #tpu.memory_space<hbm>> -> memref<1x1x112x112xf32, #tpu.memory_space<hbm>>
    %dma_wait3A_63 = tpu.memref_squeeze %dma_wait3A_62 : memref<1x1x112x112xf32, #tpu.memory_space<hbm>> -> memref<112x112xf32, #tpu.memory_space<hbm>>
    %dma_wait3A_64 = arith.constant 0 : i32
    %dma_wait3A_65 = arith.constant 0 : i32
    %dma_wait3A_66 = tpu.memref_slice %arg2[%select_n3A, %mul3A_32, %dma_wait3A_64, %dma_wait3A_65] : memref<16x96x112x112xf32, #tpu.memory_space<hbm>> -> memref<1x1x112x112xf32, #tpu.memory_space<hbm>>
    %dma_wait3A_67 = tpu.memref_squeeze %dma_wait3A_66 : memref<1x1x112x112xf32, #tpu.memory_space<hbm>> -> memref<112x112xf32, #tpu.memory_space<hbm>>
    tpu.wait_dma2 semaphore(%arg7 : memref<!tpu.dma_semaphore, #tpu.memory_space<semaphore_mem>>) src(%dma_wait3A_67 : memref<112x112xf32, #tpu.memory_space<hbm>>) dst(%arg4 : memref<112x112xf32, #tpu.memory_space<vmem>>)
    %scan3A_68 = arith.constant 0 : i32
    %scan3A_69 = arith.constant 0 : i32
    %scan3A_70 = arith.constant 112 : i32
    %scan3A_71 = arith.addi %scan3A_69, %scan3A_70 : i32
    %scan3A_72 = arith.constant 1 : i32
    scf.for %scan3A_142 = %scan3A_69 to %scan3A_71 step %scan3A_72  : i32 {
      %get3A = arith.index_cast %scan3A_142 : i32 to index
      %get3A_143 = arith.constant 0 : index
      %get3A_144 = tpu.vector_load %arg4[%get3A, %get3A_143] {strides = array<i32>} : memref<112x112xf32, #tpu.memory_space<vmem>>, vector<16xf32>,
      %mul3A_145 = arith.constant 8.192000e+03 : f32
      %mul3A_146 = vector.broadcast %mul3A_145 : f32 to vector<16xf32>
      %mul3A_147 = arith.mulf %get3A_144, %mul3A_146 : vector<16xf32>
      %add3A_148 = arith.constant 1.024000e+03 : f32
      %add3A_149 = vector.broadcast %add3A_148 : f32 to vector<16xf32>
      %add3A_150 = arith.addf %mul3A_147, %add3A_149 : vector<16xf32>
      %max3A = arith.constant 0.000000e+00 : f32
      %max3A_151 = vector.broadcast %max3A : f32 to vector<16xf32>
      %max3A_152 = arith.maximumf %add3A_150, %max3A_151 : vector<16xf32>
      %min3A = arith.constant 2.047000e+03 : f32
      %min3A_153 = vector.broadcast %min3A : f32 to vector<16xf32>
      %min3A_154 = arith.minimumf %max3A_152, %min3A_153 : vector<16xf32>
      %convert_element_type3A = arith.fptosi %min3A_154 : vector<16xf32> to vector<16xi32>
      %add3A_155 = arith.addi %mul3A_35, %convert_element_type3A : vector<16xi32>
      tpu.vector_store_idx %arg6[%add3A_155], %broadcast_in_dim3A_36 {add = true} : memref<32768xi32, #tpu.memory_space<vmem>>[vector<16xi32>], vector<16xi32>,
      %get3A_156 = arith.index_cast %scan3A_142 : i32 to index
      %get3A_157 = arith.constant 16 : index
      %get3A_158 = tpu.vector_load %arg4[%get3A_156, %get3A_157] {strides = array<i32>} : memref<112x112xf32, #tpu.memory_space<vmem>>, vector<16xf32>,
      %mul3A_159 = arith.constant 8.192000e+03 : f32
      %mul3A_160 = vector.broadcast %mul3A_159 : f32 to vector<16xf32>
      %mul3A_161 = arith.mulf %get3A_158, %mul3A_160 : vector<16xf32>
      %add3A_162 = arith.constant 1.024000e+03 : f32
      %add3A_163 = vector.broadcast %add3A_162 : f32 to vector<16xf32>
      %add3A_164 = arith.addf %mul3A_161, %add3A_163 : vector<16xf32>
      %max3A_165 = arith.constant 0.000000e+00 : f32
      %max3A_166 = vector.broadcast %max3A_165 : f32 to vector<16xf32>
      %max3A_167 = arith.maximumf %add3A_164, %max3A_166 : vector<16xf32>
      %min3A_168 = arith.constant 2.047000e+03 : f32
      %min3A_169 = vector.broadcast %min3A_168 : f32 to vector<16xf32>
      %min3A_170 = arith.minimumf %max3A_167, %min3A_169 : vector<16xf32>
      %convert_element_type3A_171 = arith.fptosi %min3A_170 : vector<16xf32> to vector<16xi32>
      %add3A_172 = arith.addi %mul3A_35, %convert_element_type3A_171 : vector<16xi32>
      tpu.vector_store_idx %arg6[%add3A_172], %broadcast_in_dim3A_36 {add = true} : memref<32768xi32, #tpu.memory_space<vmem>>[vector<16xi32>], vector<16xi32>,
      %get3A_173 = arith.index_cast %scan3A_142 : i32 to index
      %get3A_174 = arith.constant 32 : index
      %get3A_175 = tpu.vector_load %arg4[%get3A_173, %get3A_174] {strides = array<i32>} : memref<112x112xf32, #tpu.memory_space<vmem>>, vector<16xf32>,
      %mul3A_176 = arith.constant 8.192000e+03 : f32
      %mul3A_177 = vector.broadcast %mul3A_176 : f32 to vector<16xf32>
      %mul3A_178 = arith.mulf %get3A_175, %mul3A_177 : vector<16xf32>
      %add3A_179 = arith.constant 1.024000e+03 : f32
      %add3A_180 = vector.broadcast %add3A_179 : f32 to vector<16xf32>
      %add3A_181 = arith.addf %mul3A_178, %add3A_180 : vector<16xf32>
      %max3A_182 = arith.constant 0.000000e+00 : f32
      %max3A_183 = vector.broadcast %max3A_182 : f32 to vector<16xf32>
      %max3A_184 = arith.maximumf %add3A_181, %max3A_183 : vector<16xf32>
      %min3A_185 = arith.constant 2.047000e+03 : f32
      %min3A_186 = vector.broadcast %min3A_185 : f32 to vector<16xf32>
      %min3A_187 = arith.minimumf %max3A_184, %min3A_186 : vector<16xf32>
      %convert_element_type3A_188 = arith.fptosi %min3A_187 : vector<16xf32> to vector<16xi32>
      %add3A_189 = arith.addi %mul3A_35, %convert_element_type3A_188 : vector<16xi32>
      tpu.vector_store_idx %arg6[%add3A_189], %broadcast_in_dim3A_36 {add = true} : memref<32768xi32, #tpu.memory_space<vmem>>[vector<16xi32>], vector<16xi32>,
      %get3A_190 = arith.index_cast %scan3A_142 : i32 to index
      %get3A_191 = arith.constant 48 : index
      %get3A_192 = tpu.vector_load %arg4[%get3A_190, %get3A_191] {strides = array<i32>} : memref<112x112xf32, #tpu.memory_space<vmem>>, vector<16xf32>,
      %mul3A_193 = arith.constant 8.192000e+03 : f32
      %mul3A_194 = vector.broadcast %mul3A_193 : f32 to vector<16xf32>
      %mul3A_195 = arith.mulf %get3A_192, %mul3A_194 : vector<16xf32>
      %add3A_196 = arith.constant 1.024000e+03 : f32
      %add3A_197 = vector.broadcast %add3A_196 : f32 to vector<16xf32>
      %add3A_198 = arith.addf %mul3A_195, %add3A_197 : vector<16xf32>
      %max3A_199 = arith.constant 0.000000e+00 : f32
      %max3A_200 = vector.broadcast %max3A_199 : f32 to vector<16xf32>
      %max3A_201 = arith.maximumf %add3A_198, %max3A_200 : vector<16xf32>
      %min3A_202 = arith.constant 2.047000e+03 : f32
      %min3A_203 = vector.broadcast %min3A_202 : f32 to vector<16xf32>
      %min3A_204 = arith.minimumf %max3A_201, %min3A_203 : vector<16xf32>
      %convert_element_type3A_205 = arith.fptosi %min3A_204 : vector<16xf32> to vector<16xi32>
      %add3A_206 = arith.addi %mul3A_35, %convert_element_type3A_205 : vector<16xi32>
      tpu.vector_store_idx %arg6[%add3A_206], %broadcast_in_dim3A_36 {add = true} : memref<32768xi32, #tpu.memory_space<vmem>>[vector<16xi32>], vector<16xi32>,
      %get3A_207 = arith.index_cast %scan3A_142 : i32 to index
      %get3A_208 = arith.constant 64 : index
      %get3A_209 = tpu.vector_load %arg4[%get3A_207, %get3A_208] {strides = array<i32>} : memref<112x112xf32, #tpu.memory_space<vmem>>, vector<16xf32>,
      %mul3A_210 = arith.constant 8.192000e+03 : f32
      %mul3A_211 = vector.broadcast %mul3A_210 : f32 to vector<16xf32>
      %mul3A_212 = arith.mulf %get3A_209, %mul3A_211 : vector<16xf32>
      %add3A_213 = arith.constant 1.024000e+03 : f32
      %add3A_214 = vector.broadcast %add3A_213 : f32 to vector<16xf32>
      %add3A_215 = arith.addf %mul3A_212, %add3A_214 : vector<16xf32>
      %max3A_216 = arith.constant 0.000000e+00 : f32
      %max3A_217 = vector.broadcast %max3A_216 : f32 to vector<16xf32>
      %max3A_218 = arith.maximumf %add3A_215, %max3A_217 : vector<16xf32>
      %min3A_219 = arith.constant 2.047000e+03 : f32
      %min3A_220 = vector.broadcast %min3A_219 : f32 to vector<16xf32>
      %min3A_221 = arith.minimumf %max3A_218, %min3A_220 : vector<16xf32>
      %convert_element_type3A_222 = arith.fptosi %min3A_221 : vector<16xf32> to vector<16xi32>
      %add3A_223 = arith.addi %mul3A_35, %convert_element_type3A_222 : vector<16xi32>
      tpu.vector_store_idx %arg6[%add3A_223], %broadcast_in_dim3A_36 {add = true} : memref<32768xi32, #tpu.memory_space<vmem>>[vector<16xi32>], vector<16xi32>,
      %get3A_224 = arith.index_cast %scan3A_142 : i32 to index
      %get3A_225 = arith.constant 80 : index
      %get3A_226 = tpu.vector_load %arg4[%get3A_224, %get3A_225] {strides = array<i32>} : memref<112x112xf32, #tpu.memory_space<vmem>>, vector<16xf32>,
      %mul3A_227 = arith.constant 8.192000e+03 : f32
      %mul3A_228 = vector.broadcast %mul3A_227 : f32 to vector<16xf32>
      %mul3A_229 = arith.mulf %get3A_226, %mul3A_228 : vector<16xf32>
      %add3A_230 = arith.constant 1.024000e+03 : f32
      %add3A_231 = vector.broadcast %add3A_230 : f32 to vector<16xf32>
      %add3A_232 = arith.addf %mul3A_229, %add3A_231 : vector<16xf32>
      %max3A_233 = arith.constant 0.000000e+00 : f32
      %max3A_234 = vector.broadcast %max3A_233 : f32 to vector<16xf32>
      %max3A_235 = arith.maximumf %add3A_232, %max3A_234 : vector<16xf32>
      %min3A_236 = arith.constant 2.047000e+03 : f32
      %min3A_237 = vector.broadcast %min3A_236 : f32 to vector<16xf32>
      %min3A_238 = arith.minimumf %max3A_235, %min3A_237 : vector<16xf32>
      %convert_element_type3A_239 = arith.fptosi %min3A_238 : vector<16xf32> to vector<16xi32>
      %add3A_240 = arith.addi %mul3A_35, %convert_element_type3A_239 : vector<16xi32>
      tpu.vector_store_idx %arg6[%add3A_240], %broadcast_in_dim3A_36 {add = true} : memref<32768xi32, #tpu.memory_space<vmem>>[vector<16xi32>], vector<16xi32>,
      %get3A_241 = arith.index_cast %scan3A_142 : i32 to index
      %get3A_242 = arith.constant 96 : index
      %get3A_243 = tpu.vector_load %arg4[%get3A_241, %get3A_242] {strides = array<i32>} : memref<112x112xf32, #tpu.memory_space<vmem>>, vector<16xf32>,
      %mul3A_244 = arith.constant 8.192000e+03 : f32
      %mul3A_245 = vector.broadcast %mul3A_244 : f32 to vector<16xf32>
      %mul3A_246 = arith.mulf %get3A_243, %mul3A_245 : vector<16xf32>
      %add3A_247 = arith.constant 1.024000e+03 : f32
      %add3A_248 = vector.broadcast %add3A_247 : f32 to vector<16xf32>
      %add3A_249 = arith.addf %mul3A_246, %add3A_248 : vector<16xf32>
      %max3A_250 = arith.constant 0.000000e+00 : f32
      %max3A_251 = vector.broadcast %max3A_250 : f32 to vector<16xf32>
      %max3A_252 = arith.maximumf %add3A_249, %max3A_251 : vector<16xf32>
      %min3A_253 = arith.constant 2.047000e+03 : f32
      %min3A_254 = vector.broadcast %min3A_253 : f32 to vector<16xf32>
      %min3A_255 = arith.minimumf %max3A_252, %min3A_254 : vector<16xf32>
      %convert_element_type3A_256 = arith.fptosi %min3A_255 : vector<16xf32> to vector<16xi32>
      %add3A_257 = arith.addi %mul3A_35, %convert_element_type3A_256 : vector<16xi32>
      tpu.vector_store_idx %arg6[%add3A_257], %broadcast_in_dim3A_36 {add = true} : memref<32768xi32, #tpu.memory_space<vmem>>[vector<16xi32>], vector<16xi32>,
    }
    %scan3A_73 = arith.constant 112 : i32
    %add3A_74 = arith.constant 24 : i32
    %add3A_75 = arith.addi %mul3A_32, %add3A_74 : i32
    %dma_start3A_76 = arith.constant 0 : i32
    %dma_start3A_77 = arith.constant 0 : i32
    %dma_start3A_78 = tpu.memref_slice %arg2[%select_n3A, %add3A_75, %dma_start3A_76, %dma_start3A_77] : memref<16x96x112x112xf32, #tpu.memory_space<hbm>> -> memref<1x1x112x112xf32, #tpu.memory_space<hbm>>
    %dma_start3A_79 = tpu.memref_squeeze %dma_start3A_78 : memref<1x1x112x112xf32, #tpu.memory_space<hbm>> -> memref<112x112xf32, #tpu.memory_space<hbm>>
    %dma_start3A_80 = arith.constant 0 : i32
    %dma_start3A_81 = arith.constant 0 : i32
    %dma_start3A_82 = tpu.memref_slice %arg2[%select_n3A, %add3A_75, %dma_start3A_80, %dma_start3A_81] : memref<16x96x112x112xf32, #tpu.memory_space<hbm>> -> memref<1x1x112x112xf32, #tpu.memory_space<hbm>>
    %dma_start3A_83 = tpu.memref_squeeze %dma_start3A_82 : memref<1x1x112x112xf32, #tpu.memory_space<hbm>> -> memref<112x112xf32, #tpu.memory_space<hbm>>
    tpu.enqueue_dma source(%dma_start3A_83 : memref<112x112xf32, #tpu.memory_space<hbm>>) target(%arg4 : memref<112x112xf32, #tpu.memory_space<vmem>>) target_semaphore(%arg7 : memref<!tpu.dma_semaphore, #tpu.memory_space<semaphore_mem>>)
    %dma_wait3A_84 = arith.constant 0 : i32
    %dma_wait3A_85 = arith.constant 0 : i32
    %dma_wait3A_86 = tpu.memref_slice %arg2[%select_n3A, %add3A_52, %dma_wait3A_84, %dma_wait3A_85] : memref<16x96x112x112xf32, #tpu.memory_space<hbm>> -> memref<1x1x112x112xf32, #tpu.memory_space<hbm>>
    %dma_wait3A_87 = tpu.memref_squeeze %dma_wait3A_86 : memref<1x1x112x112xf32, #tpu.memory_space<hbm>> -> memref<112x112xf32, #tpu.memory_space<hbm>>
    %dma_wait3A_88 = arith.constant 0 : i32
    %dma_wait3A_89 = arith.constant 0 : i32
    %dma_wait3A_90 = tpu.memref_slice %arg2[%select_n3A, %add3A_52, %dma_wait3A_88, %dma_wait3A_89] : memref<16x96x112x112xf32, #tpu.memory_space<hbm>> -> memref<1x1x112x112xf32, #tpu.memory_space<hbm>>
    %dma_wait3A_91 = tpu.memref_squeeze %dma_wait3A_90 : memref<1x1x112x112xf32, #tpu.memory_space<hbm>> -> memref<112x112xf32, #tpu.memory_space<hbm>>
    tpu.wait_dma2 semaphore(%arg8 : memref<!tpu.dma_semaphore, #tpu.memory_space<semaphore_mem>>) src(%dma_wait3A_91 : memref<112x112xf32, #tpu.memory_space<hbm>>) dst(%arg5 : memref<112x112xf32, #tpu.memory_space<vmem>>)
    %scan3A_92 = arith.constant 0 : i32
    %scan3A_93 = arith.constant 0 : i32
    %scan3A_94 = arith.constant 112 : i32
    %scan3A_95 = arith.addi %scan3A_93, %scan3A_94 : i32
    %scan3A_96 = arith.constant 1 : i32
    scf.for %scan3A_142 = %scan3A_93 to %scan3A_95 step %scan3A_96  : i32 {
      %get3A = arith.index_cast %scan3A_142 : i32 to index
      %get3A_143 = arith.constant 0 : index
      %get3A_144 = tpu.vector_load %arg5[%get3A, %get3A_143] {strides = array<i32>} : memref<112x112xf32, #tpu.memory_space<vmem>>, vector<16xf32>,
      %mul3A_145 = arith.constant 8.192000e+03 : f32
      %mul3A_146 = vector.broadcast %mul3A_145 : f32 to vector<16xf32>
      %mul3A_147 = arith.mulf %get3A_144, %mul3A_146 : vector<16xf32>
      %add3A_148 = arith.constant 1.024000e+03 : f32
      %add3A_149 = vector.broadcast %add3A_148 : f32 to vector<16xf32>
      %add3A_150 = arith.addf %mul3A_147, %add3A_149 : vector<16xf32>
      %max3A = arith.constant 0.000000e+00 : f32
      %max3A_151 = vector.broadcast %max3A : f32 to vector<16xf32>
      %max3A_152 = arith.maximumf %add3A_150, %max3A_151 : vector<16xf32>
      %min3A = arith.constant 2.047000e+03 : f32
      %min3A_153 = vector.broadcast %min3A : f32 to vector<16xf32>
      %min3A_154 = arith.minimumf %max3A_152, %min3A_153 : vector<16xf32>
      %convert_element_type3A = arith.fptosi %min3A_154 : vector<16xf32> to vector<16xi32>
      %add3A_155 = arith.addi %mul3A_35, %convert_element_type3A : vector<16xi32>
      tpu.vector_store_idx %arg6[%add3A_155], %broadcast_in_dim3A_36 {add = true} : memref<32768xi32, #tpu.memory_space<vmem>>[vector<16xi32>], vector<16xi32>,
      %get3A_156 = arith.index_cast %scan3A_142 : i32 to index
      %get3A_157 = arith.constant 16 : index
      %get3A_158 = tpu.vector_load %arg5[%get3A_156, %get3A_157] {strides = array<i32>} : memref<112x112xf32, #tpu.memory_space<vmem>>, vector<16xf32>,
      %mul3A_159 = arith.constant 8.192000e+03 : f32
      %mul3A_160 = vector.broadcast %mul3A_159 : f32 to vector<16xf32>
      %mul3A_161 = arith.mulf %get3A_158, %mul3A_160 : vector<16xf32>
      %add3A_162 = arith.constant 1.024000e+03 : f32
      %add3A_163 = vector.broadcast %add3A_162 : f32 to vector<16xf32>
      %add3A_164 = arith.addf %mul3A_161, %add3A_163 : vector<16xf32>
      %max3A_165 = arith.constant 0.000000e+00 : f32
      %max3A_166 = vector.broadcast %max3A_165 : f32 to vector<16xf32>
      %max3A_167 = arith.maximumf %add3A_164, %max3A_166 : vector<16xf32>
      %min3A_168 = arith.constant 2.047000e+03 : f32
      %min3A_169 = vector.broadcast %min3A_168 : f32 to vector<16xf32>
      %min3A_170 = arith.minimumf %max3A_167, %min3A_169 : vector<16xf32>
      %convert_element_type3A_171 = arith.fptosi %min3A_170 : vector<16xf32> to vector<16xi32>
      %add3A_172 = arith.addi %mul3A_35, %convert_element_type3A_171 : vector<16xi32>
      tpu.vector_store_idx %arg6[%add3A_172], %broadcast_in_dim3A_36 {add = true} : memref<32768xi32, #tpu.memory_space<vmem>>[vector<16xi32>], vector<16xi32>,
      %get3A_173 = arith.index_cast %scan3A_142 : i32 to index
      %get3A_174 = arith.constant 32 : index
      %get3A_175 = tpu.vector_load %arg5[%get3A_173, %get3A_174] {strides = array<i32>} : memref<112x112xf32, #tpu.memory_space<vmem>>, vector<16xf32>,
      %mul3A_176 = arith.constant 8.192000e+03 : f32
      %mul3A_177 = vector.broadcast %mul3A_176 : f32 to vector<16xf32>
      %mul3A_178 = arith.mulf %get3A_175, %mul3A_177 : vector<16xf32>
      %add3A_179 = arith.constant 1.024000e+03 : f32
      %add3A_180 = vector.broadcast %add3A_179 : f32 to vector<16xf32>
      %add3A_181 = arith.addf %mul3A_178, %add3A_180 : vector<16xf32>
      %max3A_182 = arith.constant 0.000000e+00 : f32
      %max3A_183 = vector.broadcast %max3A_182 : f32 to vector<16xf32>
      %max3A_184 = arith.maximumf %add3A_181, %max3A_183 : vector<16xf32>
      %min3A_185 = arith.constant 2.047000e+03 : f32
      %min3A_186 = vector.broadcast %min3A_185 : f32 to vector<16xf32>
      %min3A_187 = arith.minimumf %max3A_184, %min3A_186 : vector<16xf32>
      %convert_element_type3A_188 = arith.fptosi %min3A_187 : vector<16xf32> to vector<16xi32>
      %add3A_189 = arith.addi %mul3A_35, %convert_element_type3A_188 : vector<16xi32>
      tpu.vector_store_idx %arg6[%add3A_189], %broadcast_in_dim3A_36 {add = true} : memref<32768xi32, #tpu.memory_space<vmem>>[vector<16xi32>], vector<16xi32>,
      %get3A_190 = arith.index_cast %scan3A_142 : i32 to index
      %get3A_191 = arith.constant 48 : index
      %get3A_192 = tpu.vector_load %arg5[%get3A_190, %get3A_191] {strides = array<i32>} : memref<112x112xf32, #tpu.memory_space<vmem>>, vector<16xf32>,
      %mul3A_193 = arith.constant 8.192000e+03 : f32
      %mul3A_194 = vector.broadcast %mul3A_193 : f32 to vector<16xf32>
      %mul3A_195 = arith.mulf %get3A_192, %mul3A_194 : vector<16xf32>
      %add3A_196 = arith.constant 1.024000e+03 : f32
      %add3A_197 = vector.broadcast %add3A_196 : f32 to vector<16xf32>
      %add3A_198 = arith.addf %mul3A_195, %add3A_197 : vector<16xf32>
      %max3A_199 = arith.constant 0.000000e+00 : f32
      %max3A_200 = vector.broadcast %max3A_199 : f32 to vector<16xf32>
      %max3A_201 = arith.maximumf %add3A_198, %max3A_200 : vector<16xf32>
      %min3A_202 = arith.constant 2.047000e+03 : f32
      %min3A_203 = vector.broadcast %min3A_202 : f32 to vector<16xf32>
      %min3A_204 = arith.minimumf %max3A_201, %min3A_203 : vector<16xf32>
      %convert_element_type3A_205 = arith.fptosi %min3A_204 : vector<16xf32> to vector<16xi32>
      %add3A_206 = arith.addi %mul3A_35, %convert_element_type3A_205 : vector<16xi32>
      tpu.vector_store_idx %arg6[%add3A_206], %broadcast_in_dim3A_36 {add = true} : memref<32768xi32, #tpu.memory_space<vmem>>[vector<16xi32>], vector<16xi32>,
      %get3A_207 = arith.index_cast %scan3A_142 : i32 to index
      %get3A_208 = arith.constant 64 : index
      %get3A_209 = tpu.vector_load %arg5[%get3A_207, %get3A_208] {strides = array<i32>} : memref<112x112xf32, #tpu.memory_space<vmem>>, vector<16xf32>,
      %mul3A_210 = arith.constant 8.192000e+03 : f32
      %mul3A_211 = vector.broadcast %mul3A_210 : f32 to vector<16xf32>
      %mul3A_212 = arith.mulf %get3A_209, %mul3A_211 : vector<16xf32>
      %add3A_213 = arith.constant 1.024000e+03 : f32
      %add3A_214 = vector.broadcast %add3A_213 : f32 to vector<16xf32>
      %add3A_215 = arith.addf %mul3A_212, %add3A_214 : vector<16xf32>
      %max3A_216 = arith.constant 0.000000e+00 : f32
      %max3A_217 = vector.broadcast %max3A_216 : f32 to vector<16xf32>
      %max3A_218 = arith.maximumf %add3A_215, %max3A_217 : vector<16xf32>
      %min3A_219 = arith.constant 2.047000e+03 : f32
      %min3A_220 = vector.broadcast %min3A_219 : f32 to vector<16xf32>
      %min3A_221 = arith.minimumf %max3A_218, %min3A_220 : vector<16xf32>
      %convert_element_type3A_222 = arith.fptosi %min3A_221 : vector<16xf32> to vector<16xi32>
      %add3A_223 = arith.addi %mul3A_35, %convert_element_type3A_222 : vector<16xi32>
      tpu.vector_store_idx %arg6[%add3A_223], %broadcast_in_dim3A_36 {add = true} : memref<32768xi32, #tpu.memory_space<vmem>>[vector<16xi32>], vector<16xi32>,
      %get3A_224 = arith.index_cast %scan3A_142 : i32 to index
      %get3A_225 = arith.constant 80 : index
      %get3A_226 = tpu.vector_load %arg5[%get3A_224, %get3A_225] {strides = array<i32>} : memref<112x112xf32, #tpu.memory_space<vmem>>, vector<16xf32>,
      %mul3A_227 = arith.constant 8.192000e+03 : f32
      %mul3A_228 = vector.broadcast %mul3A_227 : f32 to vector<16xf32>
      %mul3A_229 = arith.mulf %get3A_226, %mul3A_228 : vector<16xf32>
      %add3A_230 = arith.constant 1.024000e+03 : f32
      %add3A_231 = vector.broadcast %add3A_230 : f32 to vector<16xf32>
      %add3A_232 = arith.addf %mul3A_229, %add3A_231 : vector<16xf32>
      %max3A_233 = arith.constant 0.000000e+00 : f32
      %max3A_234 = vector.broadcast %max3A_233 : f32 to vector<16xf32>
      %max3A_235 = arith.maximumf %add3A_232, %max3A_234 : vector<16xf32>
      %min3A_236 = arith.constant 2.047000e+03 : f32
      %min3A_237 = vector.broadcast %min3A_236 : f32 to vector<16xf32>
      %min3A_238 = arith.minimumf %max3A_235, %min3A_237 : vector<16xf32>
      %convert_element_type3A_239 = arith.fptosi %min3A_238 : vector<16xf32> to vector<16xi32>
      %add3A_240 = arith.addi %mul3A_35, %convert_element_type3A_239 : vector<16xi32>
      tpu.vector_store_idx %arg6[%add3A_240], %broadcast_in_dim3A_36 {add = true} : memref<32768xi32, #tpu.memory_space<vmem>>[vector<16xi32>], vector<16xi32>,
      %get3A_241 = arith.index_cast %scan3A_142 : i32 to index
      %get3A_242 = arith.constant 96 : index
      %get3A_243 = tpu.vector_load %arg5[%get3A_241, %get3A_242] {strides = array<i32>} : memref<112x112xf32, #tpu.memory_space<vmem>>, vector<16xf32>,
      %mul3A_244 = arith.constant 8.192000e+03 : f32
      %mul3A_245 = vector.broadcast %mul3A_244 : f32 to vector<16xf32>
      %mul3A_246 = arith.mulf %get3A_243, %mul3A_245 : vector<16xf32>
      %add3A_247 = arith.constant 1.024000e+03 : f32
      %add3A_248 = vector.broadcast %add3A_247 : f32 to vector<16xf32>
      %add3A_249 = arith.addf %mul3A_246, %add3A_248 : vector<16xf32>
      %max3A_250 = arith.constant 0.000000e+00 : f32
      %max3A_251 = vector.broadcast %max3A_250 : f32 to vector<16xf32>
      %max3A_252 = arith.maximumf %add3A_249, %max3A_251 : vector<16xf32>
      %min3A_253 = arith.constant 2.047000e+03 : f32
      %min3A_254 = vector.broadcast %min3A_253 : f32 to vector<16xf32>
      %min3A_255 = arith.minimumf %max3A_252, %min3A_254 : vector<16xf32>
      %convert_element_type3A_256 = arith.fptosi %min3A_255 : vector<16xf32> to vector<16xi32>
      %add3A_257 = arith.addi %mul3A_35, %convert_element_type3A_256 : vector<16xi32>
      tpu.vector_store_idx %arg6[%add3A_257], %broadcast_in_dim3A_36 {add = true} : memref<32768xi32, #tpu.memory_space<vmem>>[vector<16xi32>], vector<16xi32>,
    }
    %scan3A_97 = arith.constant 112 : i32
    %add3A_98 = arith.constant 36 : i32
    %add3A_99 = arith.addi %mul3A_32, %add3A_98 : i32
    %dma_start3A_100 = arith.constant 0 : i32
    %dma_start3A_101 = arith.constant 0 : i32
    %dma_start3A_102 = tpu.memref_slice %arg2[%select_n3A, %add3A_99, %dma_start3A_100, %dma_start3A_101] : memref<16x96x112x112xf32, #tpu.memory_space<hbm>> -> memref<1x1x112x112xf32, #tpu.memory_space<hbm>>
    %dma_start3A_103 = tpu.memref_squeeze %dma_start3A_102 : memref<1x1x112x112xf32, #tpu.memory_space<hbm>> -> memref<112x112xf32, #tpu.memory_space<hbm>>
    %dma_start3A_104 = arith.constant 0 : i32
    %dma_start3A_105 = arith.constant 0 : i32
    %dma_start3A_106 = tpu.memref_slice %arg2[%select_n3A, %add3A_99, %dma_start3A_104, %dma_start3A_105] : memref<16x96x112x112xf32, #tpu.memory_space<hbm>> -> memref<1x1x112x112xf32, #tpu.memory_space<hbm>>
    %dma_start3A_107 = tpu.memref_squeeze %dma_start3A_106 : memref<1x1x112x112xf32, #tpu.memory_space<hbm>> -> memref<112x112xf32, #tpu.memory_space<hbm>>
    tpu.enqueue_dma source(%dma_start3A_107 : memref<112x112xf32, #tpu.memory_space<hbm>>) target(%arg5 : memref<112x112xf32, #tpu.memory_space<vmem>>) target_semaphore(%arg8 : memref<!tpu.dma_semaphore, #tpu.memory_space<semaphore_mem>>)
    %dma_wait3A_108 = arith.constant 0 : i32
    %dma_wait3A_109 = arith.constant 0 : i32
    %dma_wait3A_110 = tpu.memref_slice %arg2[%select_n3A, %add3A_75, %dma_wait3A_108, %dma_wait3A_109] : memref<16x96x112x112xf32, #tpu.memory_space<hbm>> -> memref<1x1x112x112xf32, #tpu.memory_space<hbm>>
    %dma_wait3A_111 = tpu.memref_squeeze %dma_wait3A_110 : memref<1x1x112x112xf32, #tpu.memory_space<hbm>> -> memref<112x112xf32, #tpu.memory_space<hbm>>
    %dma_wait3A_112 = arith.constant 0 : i32
    %dma_wait3A_113 = arith.constant 0 : i32
    %dma_wait3A_114 = tpu.memref_slice %arg2[%select_n3A, %add3A_75, %dma_wait3A_112, %dma_wait3A_113] : memref<16x96x112x112xf32, #tpu.memory_space<hbm>> -> memref<1x1x112x112xf32, #tpu.memory_space<hbm>>
    %dma_wait3A_115 = tpu.memref_squeeze %dma_wait3A_114 : memref<1x1x112x112xf32, #tpu.memory_space<hbm>> -> memref<112x112xf32, #tpu.memory_space<hbm>>
    tpu.wait_dma2 semaphore(%arg7 : memref<!tpu.dma_semaphore, #tpu.memory_space<semaphore_mem>>) src(%dma_wait3A_115 : memref<112x112xf32, #tpu.memory_space<hbm>>) dst(%arg4 : memref<112x112xf32, #tpu.memory_space<vmem>>)
    %scan3A_116 = arith.constant 0 : i32
    %scan3A_117 = arith.constant 0 : i32
    %scan3A_118 = arith.constant 112 : i32
    %scan3A_119 = arith.addi %scan3A_117, %scan3A_118 : i32
    %scan3A_120 = arith.constant 1 : i32
    scf.for %scan3A_142 = %scan3A_117 to %scan3A_119 step %scan3A_120  : i32 {
      %get3A = arith.index_cast %scan3A_142 : i32 to index
      %get3A_143 = arith.constant 0 : index
      %get3A_144 = tpu.vector_load %arg4[%get3A, %get3A_143] {strides = array<i32>} : memref<112x112xf32, #tpu.memory_space<vmem>>, vector<16xf32>,
      %mul3A_145 = arith.constant 8.192000e+03 : f32
      %mul3A_146 = vector.broadcast %mul3A_145 : f32 to vector<16xf32>
      %mul3A_147 = arith.mulf %get3A_144, %mul3A_146 : vector<16xf32>
      %add3A_148 = arith.constant 1.024000e+03 : f32
      %add3A_149 = vector.broadcast %add3A_148 : f32 to vector<16xf32>
      %add3A_150 = arith.addf %mul3A_147, %add3A_149 : vector<16xf32>
      %max3A = arith.constant 0.000000e+00 : f32
      %max3A_151 = vector.broadcast %max3A : f32 to vector<16xf32>
      %max3A_152 = arith.maximumf %add3A_150, %max3A_151 : vector<16xf32>
      %min3A = arith.constant 2.047000e+03 : f32
      %min3A_153 = vector.broadcast %min3A : f32 to vector<16xf32>
      %min3A_154 = arith.minimumf %max3A_152, %min3A_153 : vector<16xf32>
      %convert_element_type3A = arith.fptosi %min3A_154 : vector<16xf32> to vector<16xi32>
      %add3A_155 = arith.addi %mul3A_35, %convert_element_type3A : vector<16xi32>
      tpu.vector_store_idx %arg6[%add3A_155], %broadcast_in_dim3A_36 {add = true} : memref<32768xi32, #tpu.memory_space<vmem>>[vector<16xi32>], vector<16xi32>,
      %get3A_156 = arith.index_cast %scan3A_142 : i32 to index
      %get3A_157 = arith.constant 16 : index
      %get3A_158 = tpu.vector_load %arg4[%get3A_156, %get3A_157] {strides = array<i32>} : memref<112x112xf32, #tpu.memory_space<vmem>>, vector<16xf32>,
      %mul3A_159 = arith.constant 8.192000e+03 : f32
      %mul3A_160 = vector.broadcast %mul3A_159 : f32 to vector<16xf32>
      %mul3A_161 = arith.mulf %get3A_158, %mul3A_160 : vector<16xf32>
      %add3A_162 = arith.constant 1.024000e+03 : f32
      %add3A_163 = vector.broadcast %add3A_162 : f32 to vector<16xf32>
      %add3A_164 = arith.addf %mul3A_161, %add3A_163 : vector<16xf32>
      %max3A_165 = arith.constant 0.000000e+00 : f32
      %max3A_166 = vector.broadcast %max3A_165 : f32 to vector<16xf32>
      %max3A_167 = arith.maximumf %add3A_164, %max3A_166 : vector<16xf32>
      %min3A_168 = arith.constant 2.047000e+03 : f32
      %min3A_169 = vector.broadcast %min3A_168 : f32 to vector<16xf32>
      %min3A_170 = arith.minimumf %max3A_167, %min3A_169 : vector<16xf32>
      %convert_element_type3A_171 = arith.fptosi %min3A_170 : vector<16xf32> to vector<16xi32>
      %add3A_172 = arith.addi %mul3A_35, %convert_element_type3A_171 : vector<16xi32>
      tpu.vector_store_idx %arg6[%add3A_172], %broadcast_in_dim3A_36 {add = true} : memref<32768xi32, #tpu.memory_space<vmem>>[vector<16xi32>], vector<16xi32>,
      %get3A_173 = arith.index_cast %scan3A_142 : i32 to index
      %get3A_174 = arith.constant 32 : index
      %get3A_175 = tpu.vector_load %arg4[%get3A_173, %get3A_174] {strides = array<i32>} : memref<112x112xf32, #tpu.memory_space<vmem>>, vector<16xf32>,
      %mul3A_176 = arith.constant 8.192000e+03 : f32
      %mul3A_177 = vector.broadcast %mul3A_176 : f32 to vector<16xf32>
      %mul3A_178 = arith.mulf %get3A_175, %mul3A_177 : vector<16xf32>
      %add3A_179 = arith.constant 1.024000e+03 : f32
      %add3A_180 = vector.broadcast %add3A_179 : f32 to vector<16xf32>
      %add3A_181 = arith.addf %mul3A_178, %add3A_180 : vector<16xf32>
      %max3A_182 = arith.constant 0.000000e+00 : f32
      %max3A_183 = vector.broadcast %max3A_182 : f32 to vector<16xf32>
      %max3A_184 = arith.maximumf %add3A_181, %max3A_183 : vector<16xf32>
      %min3A_185 = arith.constant 2.047000e+03 : f32
      %min3A_186 = vector.broadcast %min3A_185 : f32 to vector<16xf32>
      %min3A_187 = arith.minimumf %max3A_184, %min3A_186 : vector<16xf32>
      %convert_element_type3A_188 = arith.fptosi %min3A_187 : vector<16xf32> to vector<16xi32>
      %add3A_189 = arith.addi %mul3A_35, %convert_element_type3A_188 : vector<16xi32>
      tpu.vector_store_idx %arg6[%add3A_189], %broadcast_in_dim3A_36 {add = true} : memref<32768xi32, #tpu.memory_space<vmem>>[vector<16xi32>], vector<16xi32>,
      %get3A_190 = arith.index_cast %scan3A_142 : i32 to index
      %get3A_191 = arith.constant 48 : index
      %get3A_192 = tpu.vector_load %arg4[%get3A_190, %get3A_191] {strides = array<i32>} : memref<112x112xf32, #tpu.memory_space<vmem>>, vector<16xf32>,
      %mul3A_193 = arith.constant 8.192000e+03 : f32
      %mul3A_194 = vector.broadcast %mul3A_193 : f32 to vector<16xf32>
      %mul3A_195 = arith.mulf %get3A_192, %mul3A_194 : vector<16xf32>
      %add3A_196 = arith.constant 1.024000e+03 : f32
      %add3A_197 = vector.broadcast %add3A_196 : f32 to vector<16xf32>
      %add3A_198 = arith.addf %mul3A_195, %add3A_197 : vector<16xf32>
      %max3A_199 = arith.constant 0.000000e+00 : f32
      %max3A_200 = vector.broadcast %max3A_199 : f32 to vector<16xf32>
      %max3A_201 = arith.maximumf %add3A_198, %max3A_200 : vector<16xf32>
      %min3A_202 = arith.constant 2.047000e+03 : f32
      %min3A_203 = vector.broadcast %min3A_202 : f32 to vector<16xf32>
      %min3A_204 = arith.minimumf %max3A_201, %min3A_203 : vector<16xf32>
      %convert_element_type3A_205 = arith.fptosi %min3A_204 : vector<16xf32> to vector<16xi32>
      %add3A_206 = arith.addi %mul3A_35, %convert_element_type3A_205 : vector<16xi32>
      tpu.vector_store_idx %arg6[%add3A_206], %broadcast_in_dim3A_36 {add = true} : memref<32768xi32, #tpu.memory_space<vmem>>[vector<16xi32>], vector<16xi32>,
      %get3A_207 = arith.index_cast %scan3A_142 : i32 to index
      %get3A_208 = arith.constant 64 : index
      %get3A_209 = tpu.vector_load %arg4[%get3A_207, %get3A_208] {strides = array<i32>} : memref<112x112xf32, #tpu.memory_space<vmem>>, vector<16xf32>,
      %mul3A_210 = arith.constant 8.192000e+03 : f32
      %mul3A_211 = vector.broadcast %mul3A_210 : f32 to vector<16xf32>
      %mul3A_212 = arith.mulf %get3A_209, %mul3A_211 : vector<16xf32>
      %add3A_213 = arith.constant 1.024000e+03 : f32
      %add3A_214 = vector.broadcast %add3A_213 : f32 to vector<16xf32>
      %add3A_215 = arith.addf %mul3A_212, %add3A_214 : vector<16xf32>
      %max3A_216 = arith.constant 0.000000e+00 : f32
      %max3A_217 = vector.broadcast %max3A_216 : f32 to vector<16xf32>
      %max3A_218 = arith.maximumf %add3A_215, %max3A_217 : vector<16xf32>
      %min3A_219 = arith.constant 2.047000e+03 : f32
      %min3A_220 = vector.broadcast %min3A_219 : f32 to vector<16xf32>
      %min3A_221 = arith.minimumf %max3A_218, %min3A_220 : vector<16xf32>
      %convert_element_type3A_222 = arith.fptosi %min3A_221 : vector<16xf32> to vector<16xi32>
      %add3A_223 = arith.addi %mul3A_35, %convert_element_type3A_222 : vector<16xi32>
      tpu.vector_store_idx %arg6[%add3A_223], %broadcast_in_dim3A_36 {add = true} : memref<32768xi32, #tpu.memory_space<vmem>>[vector<16xi32>], vector<16xi32>,
      %get3A_224 = arith.index_cast %scan3A_142 : i32 to index
      %get3A_225 = arith.constant 80 : index
      %get3A_226 = tpu.vector_load %arg4[%get3A_224, %get3A_225] {strides = array<i32>} : memref<112x112xf32, #tpu.memory_space<vmem>>, vector<16xf32>,
      %mul3A_227 = arith.constant 8.192000e+03 : f32
      %mul3A_228 = vector.broadcast %mul3A_227 : f32 to vector<16xf32>
      %mul3A_229 = arith.mulf %get3A_226, %mul3A_228 : vector<16xf32>
      %add3A_230 = arith.constant 1.024000e+03 : f32
      %add3A_231 = vector.broadcast %add3A_230 : f32 to vector<16xf32>
      %add3A_232 = arith.addf %mul3A_229, %add3A_231 : vector<16xf32>
      %max3A_233 = arith.constant 0.000000e+00 : f32
      %max3A_234 = vector.broadcast %max3A_233 : f32 to vector<16xf32>
      %max3A_235 = arith.maximumf %add3A_232, %max3A_234 : vector<16xf32>
      %min3A_236 = arith.constant 2.047000e+03 : f32
      %min3A_237 = vector.broadcast %min3A_236 : f32 to vector<16xf32>
      %min3A_238 = arith.minimumf %max3A_235, %min3A_237 : vector<16xf32>
      %convert_element_type3A_239 = arith.fptosi %min3A_238 : vector<16xf32> to vector<16xi32>
      %add3A_240 = arith.addi %mul3A_35, %convert_element_type3A_239 : vector<16xi32>
      tpu.vector_store_idx %arg6[%add3A_240], %broadcast_in_dim3A_36 {add = true} : memref<32768xi32, #tpu.memory_space<vmem>>[vector<16xi32>], vector<16xi32>,
      %get3A_241 = arith.index_cast %scan3A_142 : i32 to index
      %get3A_242 = arith.constant 96 : index
      %get3A_243 = tpu.vector_load %arg4[%get3A_241, %get3A_242] {strides = array<i32>} : memref<112x112xf32, #tpu.memory_space<vmem>>, vector<16xf32>,
      %mul3A_244 = arith.constant 8.192000e+03 : f32
      %mul3A_245 = vector.broadcast %mul3A_244 : f32 to vector<16xf32>
      %mul3A_246 = arith.mulf %get3A_243, %mul3A_245 : vector<16xf32>
      %add3A_247 = arith.constant 1.024000e+03 : f32
      %add3A_248 = vector.broadcast %add3A_247 : f32 to vector<16xf32>
      %add3A_249 = arith.addf %mul3A_246, %add3A_248 : vector<16xf32>
      %max3A_250 = arith.constant 0.000000e+00 : f32
      %max3A_251 = vector.broadcast %max3A_250 : f32 to vector<16xf32>
      %max3A_252 = arith.maximumf %add3A_249, %max3A_251 : vector<16xf32>
      %min3A_253 = arith.constant 2.047000e+03 : f32
      %min3A_254 = vector.broadcast %min3A_253 : f32 to vector<16xf32>
      %min3A_255 = arith.minimumf %max3A_252, %min3A_254 : vector<16xf32>
      %convert_element_type3A_256 = arith.fptosi %min3A_255 : vector<16xf32> to vector<16xi32>
      %add3A_257 = arith.addi %mul3A_35, %convert_element_type3A_256 : vector<16xi32>
      tpu.vector_store_idx %arg6[%add3A_257], %broadcast_in_dim3A_36 {add = true} : memref<32768xi32, #tpu.memory_space<vmem>>[vector<16xi32>], vector<16xi32>,
    }
    %scan3A_121 = arith.constant 112 : i32
    %dma_wait3A_122 = arith.constant 0 : i32
    %dma_wait3A_123 = arith.constant 0 : i32
    %dma_wait3A_124 = tpu.memref_slice %arg2[%select_n3A, %add3A_99, %dma_wait3A_122, %dma_wait3A_123] : memref<16x96x112x112xf32, #tpu.memory_space<hbm>> -> memref<1x1x112x112xf32, #tpu.memory_space<hbm>>
    %dma_wait3A_125 = tpu.memref_squeeze %dma_wait3A_124 : memref<1x1x112x112xf32, #tpu.memory_space<hbm>> -> memref<112x112xf32, #tpu.memory_space<hbm>>
    %dma_wait3A_126 = arith.constant 0 : i32
    %dma_wait3A_127 = arith.constant 0 : i32
    %dma_wait3A_128 = tpu.memref_slice %arg2[%select_n3A, %add3A_99, %dma_wait3A_126, %dma_wait3A_127] : memref<16x96x112x112xf32, #tpu.memory_space<hbm>> -> memref<1x1x112x112xf32, #tpu.memory_space<hbm>>
    %dma_wait3A_129 = tpu.memref_squeeze %dma_wait3A_128 : memref<1x1x112x112xf32, #tpu.memory_space<hbm>> -> memref<112x112xf32, #tpu.memory_space<hbm>>
    tpu.wait_dma2 semaphore(%arg8 : memref<!tpu.dma_semaphore, #tpu.memory_space<semaphore_mem>>) src(%dma_wait3A_129 : memref<112x112xf32, #tpu.memory_space<hbm>>) dst(%arg5 : memref<112x112xf32, #tpu.memory_space<vmem>>)
    %scan3A_130 = arith.constant 0 : i32
    %scan3A_131 = arith.constant 0 : i32
    %scan3A_132 = arith.constant 112 : i32
    %scan3A_133 = arith.addi %scan3A_131, %scan3A_132 : i32
    %scan3A_134 = arith.constant 1 : i32
    scf.for %scan3A_142 = %scan3A_131 to %scan3A_133 step %scan3A_134  : i32 {
      %get3A = arith.index_cast %scan3A_142 : i32 to index
      %get3A_143 = arith.constant 0 : index
      %get3A_144 = tpu.vector_load %arg5[%get3A, %get3A_143] {strides = array<i32>} : memref<112x112xf32, #tpu.memory_space<vmem>>, vector<16xf32>,
      %mul3A_145 = arith.constant 8.192000e+03 : f32
      %mul3A_146 = vector.broadcast %mul3A_145 : f32 to vector<16xf32>
      %mul3A_147 = arith.mulf %get3A_144, %mul3A_146 : vector<16xf32>
      %add3A_148 = arith.constant 1.024000e+03 : f32
      %add3A_149 = vector.broadcast %add3A_148 : f32 to vector<16xf32>
      %add3A_150 = arith.addf %mul3A_147, %add3A_149 : vector<16xf32>
      %max3A = arith.constant 0.000000e+00 : f32
      %max3A_151 = vector.broadcast %max3A : f32 to vector<16xf32>
      %max3A_152 = arith.maximumf %add3A_150, %max3A_151 : vector<16xf32>
      %min3A = arith.constant 2.047000e+03 : f32
      %min3A_153 = vector.broadcast %min3A : f32 to vector<16xf32>
      %min3A_154 = arith.minimumf %max3A_152, %min3A_153 : vector<16xf32>
      %convert_element_type3A = arith.fptosi %min3A_154 : vector<16xf32> to vector<16xi32>
      %add3A_155 = arith.addi %mul3A_35, %convert_element_type3A : vector<16xi32>
      tpu.vector_store_idx %arg6[%add3A_155], %broadcast_in_dim3A_36 {add = true} : memref<32768xi32, #tpu.memory_space<vmem>>[vector<16xi32>], vector<16xi32>,
      %get3A_156 = arith.index_cast %scan3A_142 : i32 to index
      %get3A_157 = arith.constant 16 : index
      %get3A_158 = tpu.vector_load %arg5[%get3A_156, %get3A_157] {strides = array<i32>} : memref<112x112xf32, #tpu.memory_space<vmem>>, vector<16xf32>,
      %mul3A_159 = arith.constant 8.192000e+03 : f32
      %mul3A_160 = vector.broadcast %mul3A_159 : f32 to vector<16xf32>
      %mul3A_161 = arith.mulf %get3A_158, %mul3A_160 : vector<16xf32>
      %add3A_162 = arith.constant 1.024000e+03 : f32
      %add3A_163 = vector.broadcast %add3A_162 : f32 to vector<16xf32>
      %add3A_164 = arith.addf %mul3A_161, %add3A_163 : vector<16xf32>
      %max3A_165 = arith.constant 0.000000e+00 : f32
      %max3A_166 = vector.broadcast %max3A_165 : f32 to vector<16xf32>
      %max3A_167 = arith.maximumf %add3A_164, %max3A_166 : vector<16xf32>
      %min3A_168 = arith.constant 2.047000e+03 : f32
      %min3A_169 = vector.broadcast %min3A_168 : f32 to vector<16xf32>
      %min3A_170 = arith.minimumf %max3A_167, %min3A_169 : vector<16xf32>
      %convert_element_type3A_171 = arith.fptosi %min3A_170 : vector<16xf32> to vector<16xi32>
      %add3A_172 = arith.addi %mul3A_35, %convert_element_type3A_171 : vector<16xi32>
      tpu.vector_store_idx %arg6[%add3A_172], %broadcast_in_dim3A_36 {add = true} : memref<32768xi32, #tpu.memory_space<vmem>>[vector<16xi32>], vector<16xi32>,
      %get3A_173 = arith.index_cast %scan3A_142 : i32 to index
      %get3A_174 = arith.constant 32 : index
      %get3A_175 = tpu.vector_load %arg5[%get3A_173, %get3A_174] {strides = array<i32>} : memref<112x112xf32, #tpu.memory_space<vmem>>, vector<16xf32>,
      %mul3A_176 = arith.constant 8.192000e+03 : f32
      %mul3A_177 = vector.broadcast %mul3A_176 : f32 to vector<16xf32>
      %mul3A_178 = arith.mulf %get3A_175, %mul3A_177 : vector<16xf32>
      %add3A_179 = arith.constant 1.024000e+03 : f32
      %add3A_180 = vector.broadcast %add3A_179 : f32 to vector<16xf32>
      %add3A_181 = arith.addf %mul3A_178, %add3A_180 : vector<16xf32>
      %max3A_182 = arith.constant 0.000000e+00 : f32
      %max3A_183 = vector.broadcast %max3A_182 : f32 to vector<16xf32>
      %max3A_184 = arith.maximumf %add3A_181, %max3A_183 : vector<16xf32>
      %min3A_185 = arith.constant 2.047000e+03 : f32
      %min3A_186 = vector.broadcast %min3A_185 : f32 to vector<16xf32>
      %min3A_187 = arith.minimumf %max3A_184, %min3A_186 : vector<16xf32>
      %convert_element_type3A_188 = arith.fptosi %min3A_187 : vector<16xf32> to vector<16xi32>
      %add3A_189 = arith.addi %mul3A_35, %convert_element_type3A_188 : vector<16xi32>
      tpu.vector_store_idx %arg6[%add3A_189], %broadcast_in_dim3A_36 {add = true} : memref<32768xi32, #tpu.memory_space<vmem>>[vector<16xi32>], vector<16xi32>,
      %get3A_190 = arith.index_cast %scan3A_142 : i32 to index
      %get3A_191 = arith.constant 48 : index
      %get3A_192 = tpu.vector_load %arg5[%get3A_190, %get3A_191] {strides = array<i32>} : memref<112x112xf32, #tpu.memory_space<vmem>>, vector<16xf32>,
      %mul3A_193 = arith.constant 8.192000e+03 : f32
      %mul3A_194 = vector.broadcast %mul3A_193 : f32 to vector<16xf32>
      %mul3A_195 = arith.mulf %get3A_192, %mul3A_194 : vector<16xf32>
      %add3A_196 = arith.constant 1.024000e+03 : f32
      %add3A_197 = vector.broadcast %add3A_196 : f32 to vector<16xf32>
      %add3A_198 = arith.addf %mul3A_195, %add3A_197 : vector<16xf32>
      %max3A_199 = arith.constant 0.000000e+00 : f32
      %max3A_200 = vector.broadcast %max3A_199 : f32 to vector<16xf32>
      %max3A_201 = arith.maximumf %add3A_198, %max3A_200 : vector<16xf32>
      %min3A_202 = arith.constant 2.047000e+03 : f32
      %min3A_203 = vector.broadcast %min3A_202 : f32 to vector<16xf32>
      %min3A_204 = arith.minimumf %max3A_201, %min3A_203 : vector<16xf32>
      %convert_element_type3A_205 = arith.fptosi %min3A_204 : vector<16xf32> to vector<16xi32>
      %add3A_206 = arith.addi %mul3A_35, %convert_element_type3A_205 : vector<16xi32>
      tpu.vector_store_idx %arg6[%add3A_206], %broadcast_in_dim3A_36 {add = true} : memref<32768xi32, #tpu.memory_space<vmem>>[vector<16xi32>], vector<16xi32>,
      %get3A_207 = arith.index_cast %scan3A_142 : i32 to index
      %get3A_208 = arith.constant 64 : index
      %get3A_209 = tpu.vector_load %arg5[%get3A_207, %get3A_208] {strides = array<i32>} : memref<112x112xf32, #tpu.memory_space<vmem>>, vector<16xf32>,
      %mul3A_210 = arith.constant 8.192000e+03 : f32
      %mul3A_211 = vector.broadcast %mul3A_210 : f32 to vector<16xf32>
      %mul3A_212 = arith.mulf %get3A_209, %mul3A_211 : vector<16xf32>
      %add3A_213 = arith.constant 1.024000e+03 : f32
      %add3A_214 = vector.broadcast %add3A_213 : f32 to vector<16xf32>
      %add3A_215 = arith.addf %mul3A_212, %add3A_214 : vector<16xf32>
      %max3A_216 = arith.constant 0.000000e+00 : f32
      %max3A_217 = vector.broadcast %max3A_216 : f32 to vector<16xf32>
      %max3A_218 = arith.maximumf %add3A_215, %max3A_217 : vector<16xf32>
      %min3A_219 = arith.constant 2.047000e+03 : f32
      %min3A_220 = vector.broadcast %min3A_219 : f32 to vector<16xf32>
      %min3A_221 = arith.minimumf %max3A_218, %min3A_220 : vector<16xf32>
      %convert_element_type3A_222 = arith.fptosi %min3A_221 : vector<16xf32> to vector<16xi32>
      %add3A_223 = arith.addi %mul3A_35, %convert_element_type3A_222 : vector<16xi32>
      tpu.vector_store_idx %arg6[%add3A_223], %broadcast_in_dim3A_36 {add = true} : memref<32768xi32, #tpu.memory_space<vmem>>[vector<16xi32>], vector<16xi32>,
      %get3A_224 = arith.index_cast %scan3A_142 : i32 to index
      %get3A_225 = arith.constant 80 : index
      %get3A_226 = tpu.vector_load %arg5[%get3A_224, %get3A_225] {strides = array<i32>} : memref<112x112xf32, #tpu.memory_space<vmem>>, vector<16xf32>,
      %mul3A_227 = arith.constant 8.192000e+03 : f32
      %mul3A_228 = vector.broadcast %mul3A_227 : f32 to vector<16xf32>
      %mul3A_229 = arith.mulf %get3A_226, %mul3A_228 : vector<16xf32>
      %add3A_230 = arith.constant 1.024000e+03 : f32
      %add3A_231 = vector.broadcast %add3A_230 : f32 to vector<16xf32>
      %add3A_232 = arith.addf %mul3A_229, %add3A_231 : vector<16xf32>
      %max3A_233 = arith.constant 0.000000e+00 : f32
      %max3A_234 = vector.broadcast %max3A_233 : f32 to vector<16xf32>
      %max3A_235 = arith.maximumf %add3A_232, %max3A_234 : vector<16xf32>
      %min3A_236 = arith.constant 2.047000e+03 : f32
      %min3A_237 = vector.broadcast %min3A_236 : f32 to vector<16xf32>
      %min3A_238 = arith.minimumf %max3A_235, %min3A_237 : vector<16xf32>
      %convert_element_type3A_239 = arith.fptosi %min3A_238 : vector<16xf32> to vector<16xi32>
      %add3A_240 = arith.addi %mul3A_35, %convert_element_type3A_239 : vector<16xi32>
      tpu.vector_store_idx %arg6[%add3A_240], %broadcast_in_dim3A_36 {add = true} : memref<32768xi32, #tpu.memory_space<vmem>>[vector<16xi32>], vector<16xi32>,
      %get3A_241 = arith.index_cast %scan3A_142 : i32 to index
      %get3A_242 = arith.constant 96 : index
      %get3A_243 = tpu.vector_load %arg5[%get3A_241, %get3A_242] {strides = array<i32>} : memref<112x112xf32, #tpu.memory_space<vmem>>, vector<16xf32>,
      %mul3A_244 = arith.constant 8.192000e+03 : f32
      %mul3A_245 = vector.broadcast %mul3A_244 : f32 to vector<16xf32>
      %mul3A_246 = arith.mulf %get3A_243, %mul3A_245 : vector<16xf32>
      %add3A_247 = arith.constant 1.024000e+03 : f32
      %add3A_248 = vector.broadcast %add3A_247 : f32 to vector<16xf32>
      %add3A_249 = arith.addf %mul3A_246, %add3A_248 : vector<16xf32>
      %max3A_250 = arith.constant 0.000000e+00 : f32
      %max3A_251 = vector.broadcast %max3A_250 : f32 to vector<16xf32>
      %max3A_252 = arith.maximumf %add3A_249, %max3A_251 : vector<16xf32>
      %min3A_253 = arith.constant 2.047000e+03 : f32
      %min3A_254 = vector.broadcast %min3A_253 : f32 to vector<16xf32>
      %min3A_255 = arith.minimumf %max3A_252, %min3A_254 : vector<16xf32>
      %convert_element_type3A_256 = arith.fptosi %min3A_255 : vector<16xf32> to vector<16xi32>
      %add3A_257 = arith.addi %mul3A_35, %convert_element_type3A_256 : vector<16xi32>
      tpu.vector_store_idx %arg6[%add3A_257], %broadcast_in_dim3A_36 {add = true} : memref<32768xi32, #tpu.memory_space<vmem>>[vector<16xi32>], vector<16xi32>,
    }
    %scan3A_135 = arith.constant 112 : i32
    %scan3A_136 = arith.constant 0 : i32
    %scan3A_137 = arith.constant 0 : i32
    %scan3A_138 = arith.constant 128 : i32
    %scan3A_139 = arith.addi %scan3A_137, %scan3A_138 : i32
    %scan3A_140 = arith.constant 1 : i32
    scf.for %scan3A_142 = %scan3A_137 to %scan3A_139 step %scan3A_140  : i32 {
      %mul3A_143 = arith.constant 16 : i32
      %mul3A_144 = arith.muli %scan3A_142, %mul3A_143 : i32
      %get3A = arith.index_cast %mul3A_144 : i32 to index
      %get3A_145 = tpu.vector_load %arg6[%get3A] {strides = array<i32>} : memref<32768xi32, #tpu.memory_space<vmem>>, vector<16xi32>,
      %mul3A_146 = arith.constant 16 : i32
      %mul3A_147 = arith.muli %scan3A_142, %mul3A_146 : i32
      %add3A_148 = arith.constant 2048 : i32
      %add3A_149 = arith.addi %add3A_148, %mul3A_147 : i32
      %get3A_150 = arith.index_cast %add3A_149 : i32 to index
      %get3A_151 = tpu.vector_load %arg6[%get3A_150] {strides = array<i32>} : memref<32768xi32, #tpu.memory_space<vmem>>, vector<16xi32>,
      %add3A_152 = arith.addi %get3A_145, %get3A_151 : vector<16xi32>
      %mul3A_153 = arith.constant 16 : i32
      %mul3A_154 = arith.muli %scan3A_142, %mul3A_153 : i32
      %add3A_155 = arith.constant 4096 : i32
      %add3A_156 = arith.addi %add3A_155, %mul3A_154 : i32
      %get3A_157 = arith.index_cast %add3A_156 : i32 to index
      %get3A_158 = tpu.vector_load %arg6[%get3A_157] {strides = array<i32>} : memref<32768xi32, #tpu.memory_space<vmem>>, vector<16xi32>,
      %add3A_159 = arith.addi %add3A_152, %get3A_158 : vector<16xi32>
      %mul3A_160 = arith.constant 16 : i32
      %mul3A_161 = arith.muli %scan3A_142, %mul3A_160 : i32
      %add3A_162 = arith.constant 6144 : i32
      %add3A_163 = arith.addi %add3A_162, %mul3A_161 : i32
      %get3A_164 = arith.index_cast %add3A_163 : i32 to index
      %get3A_165 = tpu.vector_load %arg6[%get3A_164] {strides = array<i32>} : memref<32768xi32, #tpu.memory_space<vmem>>, vector<16xi32>,
      %add3A_166 = arith.addi %add3A_159, %get3A_165 : vector<16xi32>
      %mul3A_167 = arith.constant 16 : i32
      %mul3A_168 = arith.muli %scan3A_142, %mul3A_167 : i32
      %add3A_169 = arith.constant 8192 : i32
      %add3A_170 = arith.addi %add3A_169, %mul3A_168 : i32
      %get3A_171 = arith.index_cast %add3A_170 : i32 to index
      %get3A_172 = tpu.vector_load %arg6[%get3A_171] {strides = array<i32>} : memref<32768xi32, #tpu.memory_space<vmem>>, vector<16xi32>,
      %add3A_173 = arith.addi %add3A_166, %get3A_172 : vector<16xi32>
      %mul3A_174 = arith.constant 16 : i32
      %mul3A_175 = arith.muli %scan3A_142, %mul3A_174 : i32
      %add3A_176 = arith.constant 10240 : i32
      %add3A_177 = arith.addi %add3A_176, %mul3A_175 : i32
      %get3A_178 = arith.index_cast %add3A_177 : i32 to index
      %get3A_179 = tpu.vector_load %arg6[%get3A_178] {strides = array<i32>} : memref<32768xi32, #tpu.memory_space<vmem>>, vector<16xi32>,
      %add3A_180 = arith.addi %add3A_173, %get3A_179 : vector<16xi32>
      %mul3A_181 = arith.constant 16 : i32
      %mul3A_182 = arith.muli %scan3A_142, %mul3A_181 : i32
      %add3A_183 = arith.constant 12288 : i32
      %add3A_184 = arith.addi %add3A_183, %mul3A_182 : i32
      %get3A_185 = arith.index_cast %add3A_184 : i32 to index
      %get3A_186 = tpu.vector_load %arg6[%get3A_185] {strides = array<i32>} : memref<32768xi32, #tpu.memory_space<vmem>>, vector<16xi32>,
      %add3A_187 = arith.addi %add3A_180, %get3A_186 : vector<16xi32>
      %mul3A_188 = arith.constant 16 : i32
      %mul3A_189 = arith.muli %scan3A_142, %mul3A_188 : i32
      %add3A_190 = arith.constant 14336 : i32
      %add3A_191 = arith.addi %add3A_190, %mul3A_189 : i32
      %get3A_192 = arith.index_cast %add3A_191 : i32 to index
      %get3A_193 = tpu.vector_load %arg6[%get3A_192] {strides = array<i32>} : memref<32768xi32, #tpu.memory_space<vmem>>, vector<16xi32>,
      %add3A_194 = arith.addi %add3A_187, %get3A_193 : vector<16xi32>
      %mul3A_195 = arith.constant 16 : i32
      %mul3A_196 = arith.muli %scan3A_142, %mul3A_195 : i32
      %add3A_197 = arith.constant 16384 : i32
      %add3A_198 = arith.addi %add3A_197, %mul3A_196 : i32
      %get3A_199 = arith.index_cast %add3A_198 : i32 to index
      %get3A_200 = tpu.vector_load %arg6[%get3A_199] {strides = array<i32>} : memref<32768xi32, #tpu.memory_space<vmem>>, vector<16xi32>,
      %add3A_201 = arith.addi %add3A_194, %get3A_200 : vector<16xi32>
      %mul3A_202 = arith.constant 16 : i32
      %mul3A_203 = arith.muli %scan3A_142, %mul3A_202 : i32
      %add3A_204 = arith.constant 18432 : i32
      %add3A_205 = arith.addi %add3A_204, %mul3A_203 : i32
      %get3A_206 = arith.index_cast %add3A_205 : i32 to index
      %get3A_207 = tpu.vector_load %arg6[%get3A_206] {strides = array<i32>} : memref<32768xi32, #tpu.memory_space<vmem>>, vector<16xi32>,
      %add3A_208 = arith.addi %add3A_201, %get3A_207 : vector<16xi32>
      %mul3A_209 = arith.constant 16 : i32
      %mul3A_210 = arith.muli %scan3A_142, %mul3A_209 : i32
      %add3A_211 = arith.constant 20480 : i32
      %add3A_212 = arith.addi %add3A_211, %mul3A_210 : i32
      %get3A_213 = arith.index_cast %add3A_212 : i32 to index
      %get3A_214 = tpu.vector_load %arg6[%get3A_213] {strides = array<i32>} : memref<32768xi32, #tpu.memory_space<vmem>>, vector<16xi32>,
      %add3A_215 = arith.addi %add3A_208, %get3A_214 : vector<16xi32>
      %mul3A_216 = arith.constant 16 : i32
      %mul3A_217 = arith.muli %scan3A_142, %mul3A_216 : i32
      %add3A_218 = arith.constant 22528 : i32
      %add3A_219 = arith.addi %add3A_218, %mul3A_217 : i32
      %get3A_220 = arith.index_cast %add3A_219 : i32 to index
      %get3A_221 = tpu.vector_load %arg6[%get3A_220] {strides = array<i32>} : memref<32768xi32, #tpu.memory_space<vmem>>, vector<16xi32>,
      %add3A_222 = arith.addi %add3A_215, %get3A_221 : vector<16xi32>
      %mul3A_223 = arith.constant 16 : i32
      %mul3A_224 = arith.muli %scan3A_142, %mul3A_223 : i32
      %add3A_225 = arith.constant 24576 : i32
      %add3A_226 = arith.addi %add3A_225, %mul3A_224 : i32
      %get3A_227 = arith.index_cast %add3A_226 : i32 to index
      %get3A_228 = tpu.vector_load %arg6[%get3A_227] {strides = array<i32>} : memref<32768xi32, #tpu.memory_space<vmem>>, vector<16xi32>,
      %add3A_229 = arith.addi %add3A_222, %get3A_228 : vector<16xi32>
      %mul3A_230 = arith.constant 16 : i32
      %mul3A_231 = arith.muli %scan3A_142, %mul3A_230 : i32
      %add3A_232 = arith.constant 26624 : i32
      %add3A_233 = arith.addi %add3A_232, %mul3A_231 : i32
      %get3A_234 = arith.index_cast %add3A_233 : i32 to index
      %get3A_235 = tpu.vector_load %arg6[%get3A_234] {strides = array<i32>} : memref<32768xi32, #tpu.memory_space<vmem>>, vector<16xi32>,
      %add3A_236 = arith.addi %add3A_229, %get3A_235 : vector<16xi32>
      %mul3A_237 = arith.constant 16 : i32
      %mul3A_238 = arith.muli %scan3A_142, %mul3A_237 : i32
      %add3A_239 = arith.constant 28672 : i32
      %add3A_240 = arith.addi %add3A_239, %mul3A_238 : i32
      %get3A_241 = arith.index_cast %add3A_240 : i32 to index
      %get3A_242 = tpu.vector_load %arg6[%get3A_241] {strides = array<i32>} : memref<32768xi32, #tpu.memory_space<vmem>>, vector<16xi32>,
      %add3A_243 = arith.addi %add3A_236, %get3A_242 : vector<16xi32>
      %mul3A_244 = arith.constant 16 : i32
      %mul3A_245 = arith.muli %scan3A_142, %mul3A_244 : i32
      %add3A_246 = arith.constant 30720 : i32
      %add3A_247 = arith.addi %add3A_246, %mul3A_245 : i32
      %get3A_248 = arith.index_cast %add3A_247 : i32 to index
      %get3A_249 = tpu.vector_load %arg6[%get3A_248] {strides = array<i32>} : memref<32768xi32, #tpu.memory_space<vmem>>, vector<16xi32>,
      %add3A_250 = arith.addi %add3A_243, %get3A_249 : vector<16xi32>
      %mul3A_251 = arith.constant 16 : i32
      %mul3A_252 = arith.muli %scan3A_142, %mul3A_251 : i32
      %swap3A = arith.index_cast %mul3A_252 : i32 to index
      %swap3A_253 = tpu.vector_load %arg6[%swap3A] {strides = array<i32>} : memref<32768xi32, #tpu.memory_space<vmem>>, vector<16xi32>,
      tpu.vector_store %arg6[%swap3A], %add3A_250 {strides = array<i32>} : memref<32768xi32, #tpu.memory_space<vmem>>, vector<16xi32>,
    }
    %scan3A_141 = arith.constant 128 : i32
    "tpu.region"() ({
      %run_scoped3A = tpu.sem_alloc : memref<!tpu.dma_semaphore, #tpu.memory_space<semaphore_mem>>
      %dma_start3A_142 = arith.constant 0 : i32
      %dma_start3A_143 = tpu.memref_slice %arg6[%dma_start3A_142] : memref<32768xi32, #tpu.memory_space<vmem>> -> memref<2048xi32, #tpu.memory_space<vmem>>
      %dma_start3A_144 = arith.constant 0 : i32
      %dma_start3A_145 = tpu.memref_slice %arg3[%add3A, %dma_start3A_144] : memref<32x2048xi32, #tpu.memory_space<hbm>> -> memref<1x2048xi32, #tpu.memory_space<hbm>>
      %dma_start3A_146 = tpu.memref_squeeze %dma_start3A_145 : memref<1x2048xi32, #tpu.memory_space<hbm>> -> memref<2048xi32, #tpu.memory_space<hbm>>
      %dma_start3A_147 = arith.constant 0 : i32
      %dma_start3A_148 = tpu.memref_slice %arg3[%add3A, %dma_start3A_147] : memref<32x2048xi32, #tpu.memory_space<hbm>> -> memref<1x2048xi32, #tpu.memory_space<hbm>>
      %dma_start3A_149 = tpu.memref_squeeze %dma_start3A_148 : memref<1x2048xi32, #tpu.memory_space<hbm>> -> memref<2048xi32, #tpu.memory_space<hbm>>
      %dma_start3A_150 = arith.constant 0 : i32
      %dma_start3A_151 = tpu.memref_slice %arg6[%dma_start3A_150] : memref<32768xi32, #tpu.memory_space<vmem>> -> memref<2048xi32, #tpu.memory_space<vmem>>
      tpu.enqueue_dma source(%dma_start3A_151 : memref<2048xi32, #tpu.memory_space<vmem>>) target(%dma_start3A_149 : memref<2048xi32, #tpu.memory_space<hbm>>) target_semaphore(%run_scoped3A : memref<!tpu.dma_semaphore, #tpu.memory_space<semaphore_mem>>)
      %dma_wait3A_152 = arith.constant 0 : i32
      %dma_wait3A_153 = tpu.memref_slice %arg6[%dma_wait3A_152] : memref<32768xi32, #tpu.memory_space<vmem>> -> memref<2048xi32, #tpu.memory_space<vmem>>
      %dma_wait3A_154 = arith.constant 0 : i32
      %dma_wait3A_155 = tpu.memref_slice %arg3[%add3A, %dma_wait3A_154] : memref<32x2048xi32, #tpu.memory_space<hbm>> -> memref<1x2048xi32, #tpu.memory_space<hbm>>
      %dma_wait3A_156 = tpu.memref_squeeze %dma_wait3A_155 : memref<1x2048xi32, #tpu.memory_space<hbm>> -> memref<2048xi32, #tpu.memory_space<hbm>>
      %dma_wait3A_157 = arith.constant 0 : i32
      %dma_wait3A_158 = tpu.memref_slice %arg3[%add3A, %dma_wait3A_157] : memref<32x2048xi32, #tpu.memory_space<hbm>> -> memref<1x2048xi32, #tpu.memory_space<hbm>>
      %dma_wait3A_159 = tpu.memref_squeeze %dma_wait3A_158 : memref<1x2048xi32, #tpu.memory_space<hbm>> -> memref<2048xi32, #tpu.memory_space<hbm>>
      %dma_wait3A_160 = arith.constant 0 : i32
      %dma_wait3A_161 = tpu.memref_slice %arg6[%dma_wait3A_160] : memref<32768xi32, #tpu.memory_space<vmem>> -> memref<2048xi32, #tpu.memory_space<vmem>>
      tpu.wait_dma2 semaphore(%run_scoped3A : memref<!tpu.dma_semaphore, #tpu.memory_space<semaphore_mem>>) src(%dma_wait3A_161 : memref<2048xi32, #tpu.memory_space<vmem>>) dst(%dma_wait3A_159 : memref<2048xi32, #tpu.memory_space<hbm>>)
      tpu.yield
    }) : () -> ()
    return
  }
}

module attributes {stable_mosaic.version = 14 : i64} {
  func.func @_mask_body(%arg0: i32, %arg1: memref<32x2048xi32, #tpu.memory_space<vmem>>, %arg2: memref<1x96x112x112xf32, #tpu.memory_space<vmem>>, %arg3: memref<1x96x112x112xf32, #tpu.memory_space<vmem>>) attributes {dimension_semantics = [#tpu.dimension_semantics<arbitrary>], iteration_bounds = array<i64: 16>, scalar_prefetch = 0 : i64, scratch_operands = 0 : i64, tpu.core_type = #tpu.core_type<tc>, window_params = [{pipeline_mode = #tpu.pipeline_mode<synchronous>, transform_indices = @transform_0, window_bounds = array<i64: 32, 2048>}, {transform_indices = @transform_1, window_bounds = array<i64: 1, 96, 112, 112>}, {transform_indices = @transform_2, window_bounds = array<i64: 1, 96, 112, 112>}]} {
    %get3A = arith.constant 0 : index
    %get3A_0 = arith.constant 0 : index
    %get3A_1 = vector.load %arg1[%get3A, %get3A_0] : memref<32x2048xi32, #tpu.memory_space<vmem>>, vector<32x2048xi32>
    %convert_element_type3A = arith.sitofp %get3A_1 : vector<32x2048xi32> to vector<32x2048xf32>
    %iota3A = tpu.iota {dimensions = array<i32: 0>} : vector<32x2048xi32>
    %jit3A = arith.constant 2 : i32
    %div3A = vector.broadcast %jit3A : i32 to vector<32x2048xi32>
    %div3A_2 = arith.divsi %iota3A, %div3A : vector<32x2048xi32>
    %sign3A = arith.constant 0 : i32
    %sign3A_3 = vector.broadcast %sign3A : i32 to vector<32x2048xi32>
    %sign3A_4 = arith.cmpi sgt, %iota3A, %sign3A_3 : vector<32x2048xi32>
    %sign3A_5 = arith.extui %sign3A_4 : vector<32x2048xi1> to vector<32x2048xi32>
    %sign3A_6 = arith.constant 0 : i32
    %sign3A_7 = vector.broadcast %sign3A_6 : i32 to vector<32x2048xi32>
    %sign3A_8 = arith.cmpi slt, %iota3A, %sign3A_7 : vector<32x2048xi32>
    %sign3A_9 = arith.extui %sign3A_8 : vector<32x2048xi1> to vector<32x2048xi32>
    %sign3A_10 = arith.subi %sign3A_5, %sign3A_9 : vector<32x2048xi32>
    %sign3A_11 = arith.constant 0 : i32
    %sign3A_12 = arith.cmpi sgt, %jit3A, %sign3A_11 : i32
    %sign3A_13 = arith.extui %sign3A_12 : i1 to i32
    %sign3A_14 = arith.constant 0 : i32
    %sign3A_15 = arith.cmpi slt, %jit3A, %sign3A_14 : i32
    %sign3A_16 = arith.extui %sign3A_15 : i1 to i32
    %sign3A_17 = arith.subi %sign3A_13, %sign3A_16 : i32
    %ne3A = vector.broadcast %sign3A_17 : i32 to vector<32x2048xi32>
    %ne3A_18 = arith.cmpi ne, %sign3A_10, %ne3A : vector<32x2048xi32>
    %rem3A = vector.broadcast %jit3A : i32 to vector<32x2048xi32>
    %rem3A_19 = arith.remsi %iota3A, %rem3A : vector<32x2048xi32>
    %ne3A_20 = arith.constant 0 : i32
    %ne3A_21 = vector.broadcast %ne3A_20 : i32 to vector<32x2048xi32>
    %ne3A_22 = arith.cmpi ne, %rem3A_19, %ne3A_21 : vector<32x2048xi32>
    %and3A = arith.andi %ne3A_18, %ne3A_22 : vector<32x2048xi1>
    %sub3A = arith.constant 1 : i32
    %sub3A_23 = vector.broadcast %sub3A : i32 to vector<32x2048xi32>
    %sub3A_24 = arith.subi %div3A_2, %sub3A_23 : vector<32x2048xi32>
    %select_n3A = arith.select %and3A, %sub3A_24, %div3A_2 : vector<32x2048xi1>, vector<32x2048xi32>
    %eq3A = vector.broadcast %arg0 : i32 to vector<32x2048xi32>
    %eq3A_25 = arith.cmpi eq, %select_n3A, %eq3A : vector<32x2048xi32>
    %jit3A_26 = arith.constant 0.000000e+00 : f32
    %broadcast_in_dim3A = vector.broadcast %jit3A_26 : f32 to vector<32x2048xf32>
    %select_n3A_27 = arith.select %eq3A_25, %convert_element_type3A, %broadcast_in_dim3A : vector<32x2048xi1>, vector<32x2048xf32>
    %reduce_sum3A = arith.constant dense<0.000000e+00> : vector<2048xf32>
    %reduce_sum3A_28 = vector.multi_reduction <add>, %select_n3A_27, %reduce_sum3A [0] : vector<32x2048xf32> to vector<2048xf32>
    %reshape3A = vector.shape_cast %reduce_sum3A_28 : vector<2048xf32> to vector<16x128xf32>
    %reduce_sum3A_29 = arith.constant dense<0.000000e+00> : vector<16xf32>
    %reduce_sum3A_30 = vector.multi_reduction <add>, %reshape3A, %reduce_sum3A_29 [1] : vector<16x128xf32> to vector<16xf32>
    %broadcast_in_dim3A_31 = vector.shape_cast %reduce_sum3A_30 : vector<16xf32> to vector<16x1xf32>
    %iota3A_32 = tpu.iota {dimensions = array<i32: 0>} : vector<16x16xi32>
    %iota3A_33 = tpu.iota {dimensions = array<i32: 1>} : vector<16x16xi32>
    %gt3A = arith.cmpi sgt, %iota3A_32, %iota3A_33 : vector<16x16xi32>
    %convert_element_type3A_34 = arith.extui %gt3A : vector<16x16xi1> to vector<16x16xi32>
    %convert_element_type3A_35 = arith.sitofp %convert_element_type3A_34 : vector<16x16xi32> to vector<16x16xf32>
    %transpose3A = tpu.transpose %convert_element_type3A_35, [1, 0] : vector<16x16xf32> -> vector<16x16xf32>
    %dot_general3A = arith.constant dense<0.000000e+00> : vector<16x1xf32>
    %dot_general3A_36 = tpu.matmul %transpose3A, %broadcast_in_dim3A_31, %dot_general3A {dimension_numbers = #tpu.dot_dimension_numbers<[1], [0], [0], [1], [0, 0, 1, 1], [], []>, transpose_lhs_hint = false} : vector<16x16xf32>, vector<16x1xf32>, vector<16x1xf32> -> vector<16x1xf32>
    %iota3A_37 = tpu.iota {dimensions = array<i32: 0>} : vector<128x128xi32>
    %iota3A_38 = tpu.iota {dimensions = array<i32: 1>} : vector<128x128xi32>
    %ge3A = arith.cmpi sge, %iota3A_37, %iota3A_38 : vector<128x128xi32>
    %convert_element_type3A_39 = arith.extui %ge3A : vector<128x128xi1> to vector<128x128xi32>
    %convert_element_type3A_40 = arith.sitofp %convert_element_type3A_39 : vector<128x128xi32> to vector<128x128xf32>
    %dot_general3A_41 = arith.constant dense<0.000000e+00> : vector<16x128xf32>
    %dot_general3A_42 = tpu.matmul %reshape3A, %convert_element_type3A_40, %dot_general3A_41 {dimension_numbers = #tpu.dot_dimension_numbers<[1], [0], [0], [1], [0, 0, 1, 1], [], []>, transpose_lhs_hint = false} : vector<16x128xf32>, vector<128x128xf32>, vector<16x128xf32> -> vector<16x128xf32>
    %add3A = vector.broadcast %dot_general3A_36 : vector<16x1xf32> to vector<16x128xf32>
    %add3A_43 = arith.addf %dot_general3A_42, %add3A : vector<16x128xf32>
    %ge3A_44 = arith.constant 5.017600e+04 : f32
    %ge3A_45 = vector.broadcast %ge3A_44 : f32 to vector<16x128xf32>
    %ge3A_46 = arith.cmpf oge, %add3A_43, %ge3A_45 : vector<16x128xf32>
    %convert_element_type3A_47 = arith.extui %ge3A_46 : vector<16x128xi1> to vector<16x128xi32>
    %convert_element_type3A_48 = arith.sitofp %convert_element_type3A_47 : vector<16x128xi32> to vector<16x128xf32>
    %reduce_sum3A_49 = vector.shape_cast %convert_element_type3A_48 : vector<16x128xf32> to vector<1x16x128xf32>
    %reduce_sum3A_50 = arith.constant dense<0.000000e+00> : vector<1xf32>
    %reduce_sum3A_51 = vector.multi_reduction <add>, %reduce_sum3A_49, %reduce_sum3A_50 [1, 2] : vector<1x16x128xf32> to vector<1xf32>
    %reduce_sum3A_52 = vector.shape_cast %reduce_sum3A_51 : vector<1xf32> to vector<1x1x1xf32>
    %reduce_sum3A_53 = vector.extract %reduce_sum3A_52[0, 0, 0] : f32 from vector<1x1x1xf32>
    %sub3A_54 = arith.constant 1.000000e+00 : f32
    %sub3A_55 = arith.subf %reduce_sum3A_53, %sub3A_54 : f32
    %mul3A = arith.constant 1.22070313E-4 : f32
    %mul3A_56 = arith.mulf %sub3A_55, %mul3A : f32
    %add3A_57 = arith.constant -1.250000e-01 : f32
    %add3A_58 = arith.addf %add3A_57, %mul3A_56 : f32
    %get3A_59 = arith.constant 0 : index
    %get3A_60 = arith.constant 0 : index
    %get3A_61 = arith.constant 0 : index
    %get3A_62 = arith.constant 0 : index
    %get3A_63 = vector.load %arg2[%get3A_59, %get3A_60, %get3A_61, %get3A_62] : memref<1x96x112x112xf32, #tpu.memory_space<vmem>>, vector<1x96x112x112xf32>
    %ge3A_64 = vector.broadcast %add3A_58 : f32 to vector<1x96x112x112xf32>
    %ge3A_65 = arith.cmpf oge, %get3A_63, %ge3A_64 : vector<1x96x112x112xf32>
    %jit3A_66 = arith.constant 0.000000e+00 : f32
    %broadcast_in_dim3A_67 = vector.broadcast %jit3A_66 : f32 to vector<1x96x112x112xf32>
    %select_n3A_68 = arith.select %ge3A_65, %get3A_63, %broadcast_in_dim3A_67 : vector<1x96x112x112xi1>, vector<1x96x112x112xf32>
    %swap3A = arith.constant 0 : index
    %swap3A_69 = arith.constant 0 : index
    %swap3A_70 = arith.constant 0 : index
    %swap3A_71 = arith.constant 0 : index
    %swap3A_72 = vector.load %arg3[%swap3A, %swap3A_69, %swap3A_70, %swap3A_71] : memref<1x96x112x112xf32, #tpu.memory_space<vmem>>, vector<1x96x112x112xf32>
    tpu.vector_store %arg3[%swap3A, %swap3A_69, %swap3A_70, %swap3A_71], %select_n3A_68 {strides = array<i32>} : memref<1x96x112x112xf32, #tpu.memory_space<vmem>>, vector<1x96x112x112xf32>,
    return
  }
  func.func @transform_0(%arg0: i32) -> (i32, i32) {
    %c0_i32 = arith.constant 0 : i32
    %c0_i32_0 = arith.constant 0 : i32
    %c0_i32_1 = arith.constant 0 : i32
    return %c0_i32, %c0_i32_0 : i32, i32
  }
  func.func @transform_1(%arg0: i32) -> (i32, i32, i32, i32) {
    %c0_i32 = arith.constant 0 : i32
    %c0_i32_0 = arith.constant 0 : i32
    %c0_i32_1 = arith.constant 0 : i32
    %c0_i32_2 = arith.constant 0 : i32
    return %arg0, %c0_i32, %c0_i32_0, %c0_i32_1 : i32, i32, i32, i32
  }
  func.func @transform_2(%arg0: i32) -> (i32, i32, i32, i32) {
    %c0_i32 = arith.constant 0 : i32
    %c0_i32_0 = arith.constant 0 : i32
    %c0_i32_1 = arith.constant 0 : i32
    %c0_i32_2 = arith.constant 0 : i32
    return %arg0, %c0_i32, %c0_i32_0, %c0_i32_1 : i32, i32, i32, i32
  }
}

</mosaic_0001>

<sc_bundles>
// kernel: kernel.4.cloned.1.call-start
scs
__scs_entry_jumppad:
0x0: {  	(pc) =	sbr.rel $0x88, $3  }
0x1: {  	(tag) =	ssettag $0x0;
	lr =	simm.s32 $0x1  }
0x2: {  	[smem:$0x3FA0] =	sst lr;
	_ =	strace $0xD0000000  }
0x3: {  	_ = 	snop  }
0x4: {  	_ = 	snop  }
0x5: {  	_ = 	snop  }
0x6: {  	_ = 	snop  }
0x7: {  	_ = 	snop  }
__scs_overlays_trampoline_lowered:
0x8: {  	[smem:$0x3FAF] =	sst s0  }
0x9: {  	[smem:$0x3FB0] =	sst s1  }
0xa: {  	[smem:$0x3FB1] =	sst s2  }
0xb: {  	[smem:$0x3FB2] =	sst s3  }
0xc: {  	[smem:$0x3FB3] =	sst s4  }
0xd: {  	[smem:$0x3FB4] =	sst s5  }
0xe: {  	[smem:$0x3FB5] =	sst s6  }
0xf: {  	[smem:$0x3FB6] =	sst s7  }
0x10: {  	[smem:$0x3FB7] =	sst s8  }
0x11: {  	[smem:$0x3FB8] =	sst s9;
	s0 =	simm.s32 @!p0 $0x0  }
0x12: {  	s1 =	sld [smem:$0x3F9E];
	s0 =	simm.s32 @p0 $0x1  }
0x13: {  	[smem:$0x3FB9] =	sst s0;
	s0 =	simm.s32 @!p1 $0x0  }
0x14: {  	s2 =	sld [smem:$0x3F9D];
	s0 =	simm.s32 @p1 $0x1  }
0x15: {  	[smem:$0x3FBA] =	sst s0;
	s0 =	simm.s32 @!p2 $0x0  }
0x16: {  	s3 =	sld [smem:$0x3FDB];
	s0 =	simm.s32 @p2 $0x1  }
0x17: {  	s4 =	simm.s32 $0x1BF5;
	[smem:$0x3FBC] =	sst s0  }
0x18: {  	s0 =	sld [smem:$0x3F9F];
	_ =	swait.ge [sflag:s4], $0x0  }
0x19: {  	s7 =	sld [smem:$0x3FA0]  }
0x1a: {  	s8 =	sadd.s32 $0xFFFFE003, lr  }
0x1b: {  	s9 =	sadd.s32 $0xFFFFFEF7, lr;
	s5 =	simm.s32 $0xFFFFFFFF;
	p2 =	slt.u32 s8, $0xFFFFF086  }
0x1c: {  	p1 =	slt.u32 s9, $0xF7A;
	s5 =	simm.s32 @!p2 $0x0  }
0x1d: {  	s5 =	simm.s32 @p1 $0x1;
	p0 =	seq.s32 s7, s2  }
0x1e: {  	s7 =	smul.u32 @!p0 $0xF7A, s2;
	p2 =	seq.s32 @!p0 s5, $0x0  }
0x1f: {  	s9 =	smul.u32 $0xF7A, s1;
	s8 =	simm.s32 @!p0 $0x1BF5;
	p2 =	por !p2, p0  }
0x20: {  	[sflag:s8] =	ssyncset.s32 @!p0 $0xFFFFF086;
	s6 =	sadd.s32 @!p0 s3, s7;
	s7 =	simm.s32 @!p0 $0x108  }
0x21: {  	s3 =	sadd.s32 s3, s9;
	s6 =	sadd.s32 @!p0 $0x88, s6;
	s7 =	simm.s32 @p2 $0x1082  }
0x22: {  	[simem:s7], [sflag:s8] =	dma.local @!p0 [hbm:s6], $0xF7A  }
0x23: {  	s9 =	sor.u32 $0xD0000000, s2;
	s6 =	simm.s32 $0x108;
	_ =	swait.ge @!p0 [sflag:s8], $0x0  }
0x24: {  	s3 =	sadd.s32 $0x88, s3;
	s6 =	simm.s32 @!p1 $0x1082;
	[sflag:s4] =	ssyncset.s32 $0xFFFFF086  }
0x25: {  	[simem:s6], [sflag:s4] =	dma.local [hbm:s3], $0xF7A  }
0x26: {  	[smem:$0x3FA0] =	sst s1;
	(tag) =	ssettag s2;
	_ =	strace s9  }
0x27: {  	s1 =	sld [smem:$0x3FB0]  }
0x28: {  	s2 =	sld [smem:$0x3FB1]  }
0x29: {  	s4 =	sld [smem:$0x3FB3]  }
0x2a: {  	p0 =	seq.s32 s5, $0x0;
	s5 =	sld [smem:$0x3FB4]  }
0x2b: {  	s6 =	sld [smem:$0x3FB5]  }
0x2c: {  	s7 =	sld [smem:$0x3FB6]  }
0x2d: {  	s3 =	simm.s32 $0x108;
	s8 =	sld [smem:$0x3FB7]  }
0x2e: {  	s3 =	simm.s32 @!p0 $0x1082;
	s9 =	sld [smem:$0x3FB8]  }
0x2f: {  	lr =	sadd.s32 s0, s3;
	s0 =	sld [smem:$0x3FAF]  }
0x30: {  	s3 =	sld [smem:$0x3FB2]  }
0x31: {  	[smem:$0x3FBB] =	sst s10  }
0x32: {  	s10 =	sld [smem:$0x3FB9];
	_ =	sdelay $0x3  }
0x33: {  	p0 =	seq.s32 s10, $0x1;
	s10 =	sld [smem:$0x3FBB];
	_ =	sdelay $0x3  }
0x34: {  	[smem:$0x3FBB] =	sst s10  }
0x35: {  	s10 =	sld [smem:$0x3FBA];
	_ =	sdelay $0x3  }
0x36: {  	p1 =	seq.s32 s10, $0x1;
	s10 =	sld [smem:$0x3FBB];
	_ =	sdelay $0x3  }
0x37: {  	[smem:$0x3FBB] =	sst s10  }
0x38: {  	s10 =	sld [smem:$0x3FBC]  }
0x39: {  	_ = 	snop;
	(pc) =	sbr.ind lr, $3  }
0x3a: {  	_ = 	snop  }
0x3b: {  	_ = 	snop  }
0x3c: {  	p2 =	seq.s32 s10, $0x1;
	s10 =	sld [smem:$0x3FBB]  }
0x3d: {  	_ =	shalt  }
0x3e: {  	_ =	shalt  }
0x3f: {  	_ =	shalt  }
0x40: {  	_ =	shalt  }
0x41: {  	_ =	shalt  }
0x42: {  	_ =	shalt  }
0x43: {  	_ =	shalt  }
0x44: {  	_ =	shalt  }
0x45: {  	_ =	shalt  }
0x46: {  	_ =	shalt  }
0x47: {  	_ =	shalt  }
0x48: {  	_ =	shalt  }
0x49: {  	_ =	shalt  }
0x4a: {  	_ =	shalt  }
0x4b: {  	_ =	shalt  }
0x4c: {  	_ =	shalt  }
0x4d: {  	_ =	shalt  }
0x4e: {  	_ =	shalt  }
0x4f: {  	_ =	shalt  }
0x50: {  	_ =	shalt  }
0x51: {  	_ =	shalt  }
0x52: {  	_ =	shalt  }
0x53: {  	_ =	shalt  }
0x54: {  	_ =	shalt  }
0x55: {  	_ =	shalt  }
0x56: {  	_ =	shalt  }
0x57: {  	_ =	shalt  }
0x58: {  	_ =	shalt  }
0x59: {  	_ =	shalt  }
0x5a: {  	_ =	shalt  }
0x5b: {  	_ =	shalt  }
0x5c: {  	_ =	shalt  }
0x5d: {  	_ =	shalt  }
0x5e: {  	_ =	shalt  }
0x5f: {  	_ =	shalt  }
0x60: {  	_ =	shalt  }
0x61: {  	_ =	shalt  }
0x62: {  	_ =	shalt  }
0x63: {  	_ =	shalt  }
0x64: {  	_ =	shalt  }
0x65: {  	_ =	shalt  }
0x66: {  	_ =	shalt  }
0x67: {  	_ =	shalt  }
0x68: {  	_ =	shalt  }
0x69: {  	_ =	shalt  }
0x6a: {  	_ =	shalt  }
0x6b: {  	_ =	shalt  }
0x6c: {  	_ =	shalt  }
0x6d: {  	_ =	shalt  }
0x6e: {  	_ =	shalt  }
0x6f: {  	_ =	shalt  }
0x70: {  	_ =	shalt  }
0x71: {  	_ =	shalt  }
0x72: {  	_ =	shalt  }
0x73: {  	_ =	shalt  }
0x74: {  	_ =	shalt  }
0x75: {  	_ =	shalt  }
0x76: {  	_ =	shalt  }
0x77: {  	_ =	shalt  }
0x78: {  	_ =	shalt  }
0x79: {  	_ =	shalt  }
0x7a: {  	_ =	shalt  }
0x7b: {  	_ =	shalt  }
0x7c: {  	_ =	shalt  }
0x7d: {  	_ =	shalt  }
0x7e: {  	_ =	shalt  }
0x7f: {  	_ =	shalt  }
0x80: {  	_ =	shalt  }
0x81: {  	_ =	shalt  }
0x82: {  	_ =	shalt  }
0x83: {  	_ =	shalt  }
0x84: {  	_ =	shalt  }
0x85: {  	_ =	shalt  }
0x86: {  	_ =	shalt  }
0x87: {  	_ =	shalt  }
.Lfunc_end0:
.L_simem_size_0:
called_computation_lowered:
.L_overlay_start_0:
0x88: {  	s2 =	sld [smem:$0x3FD9]  }
0x89: {  	s3 =	sld [smem:$0x3FFE];
	_ =	sdelay $0x1  }
0x8a: {  	s1 =	srdreg.scid  }
0x8b: {  	s0 =	sand.u32 $0x1, s1  }
0x8c: {  	s18 =	sshll.u32 s0, $0xA;
	s2 =	sadd.s32 s3, s2  }
0x8d: {  	s2 =	sadd.s32 s2, s18  }
0x8e: {  	[smem:$0x3FC7] =	sst s2  }
0x8f: {  	_ = 	snop  }
0x90: {  	s2 =	sld [smem:$0x3FC9]  }
0x91: {  	s19 =	sld [smem:$0x3FD0];
	(tm) =	ssettm $0x1  }
0x92: {  	s4 =	sld [smem:$0x3FFB];
	_ =	sdelay $0x3  }
0x93: {  	_ =	strace s4  }
0x94: {  	s4 =	sld [smem:$0x3FFC];
	_ =	sdelay $0x3  }
0x95: {  	_ =	strace s4  }
0x96: {  	s4 =	sld [smem:$0x3FFD];
	_ =	sdelay $0x3  }
0x97: {  	_ =	strace s4  }
0x98: {  	_ =	strace $0x8FFFFFFF  }
0x99: {  	s20 =	sld [smem:$0x3FDB];
	_ =	sdelay $0x1  }
0x9a: {  	s5 =	simm.s32 $_scs_section_size  }
0x9b: {  	s6 =	simm.s32 $_size__tile_overlayer_lowered;
	s7 =	simm.s32 $_tile_overlayer_lowered  }
0x9c: {  	s23 =	simm.s32 $0x1BFF;
	s22 =	sshll.u32 s7, $0x1;
	s4 =	sadd.s32 s5, s20  }
0x9d: {  	s8 =	simm.s32 $0x0;
	s21 =	sshll.u32 s6, $0x1;
	s6 =	sadd.s32 s22, s4  }
0x9e: {  	[timem:s8], [sflag:s23] =	dma.local [hbm:s6], s21  }
0x9f: {  	_ =	swait.ge [sflag:s23], s21  }
0xa0: {  	s5 =	ssub.s32 $0x0, s21;
	[sflag:s23] =	ssyncset.done $0x0  }
0xa1: {  	[sflag:s23] =	ssyncadd.s32 s5;
	_ =	sdelay $0x1  }
0xa2: {  	s24 =	simm.s32 $0x1B8B  }
0xa3: {  	_ =	swait.ge [sflag:s24], $0x1  }
0xa4: {  	[sflag:s24] =	ssyncset.done $0x0  }
0xa5: {  	s25 =	simm.s32 $0x1B8E;
	[sflag:s24] =	ssyncadd.s32 $0xFFFFFFFF  }
0xa6: {  	s26 =	simm.s32 $execute0_lowered;
	[smem:$0x3FD2] =	sst s25  }
0xa7: {  	s5 =	sshll.u32 s26, $0x1;
	_ =	strace $0x80000046;
	[dreg:$0x1] =	wrdreg $0xFFFFFFFF  }
0xa8: {  	s28 =	simm.s32 $_size_execute0_lowered;
	s4 =	sadd.s32 s4, s5;
	[dreg:$0x0] =	wrdreg $0x0  }
0xa9: {  	s5 =	sshll.u32 s28, $0x1;
	[dreg:$0x2] =	wrdreg s4  }
0xaa: {  	[dreg:$0x3] =	wrdreg s5  }
0xab: {  	[dreg:$0x4] =	wrdreg $0xC0  }
0xac: {  	_ =	task [dreg:s8], $0x5FFFF  }
0xad: {  	[dreg:$0x1] =	wrdreg $0xFFFFFFFF  }
0xae: {  	[dreg:$0x0] =	wrdreg $0x60  }
0xaf: {  	[dreg:$0x2] =	wrdreg s2  }
0xb0: {  	[dreg:$0x3] =	wrdreg s19  }
0xb1: {  	[dreg:$0x4] =	wrdreg $0x9  }
0xb2: {  	_ =	task.clear_ibuf [dreg:s8], $0x5FFFF;
	_ =	strace $0x90000046  }
0xb3: {  	s29 =	simm.s32 $0x9;
	_ =	strace $0x80000048  }
0xb4: {  	_ =	swait.ge [sflag:s29], $0x1  }
0xb5: {  	[sflag:s29] =	ssyncadd.s32 $0xFFFFFFFF  }
0xb6: {  	_ =	strace $0x90000048  }
0xb7: {  	_ =	sfence  }
0xb8: {  	s30 =	sld [smem:$0x0];
	_ =	sdelay $0x2  }
0xb9: {  	s31 =	sshll.u32 s1, $0xD;
	s1 =	sshrl.u32 s1, $0x2  }
0xba: {  	s3 =	sand.u32 $0x4000, s31;
	s1 =	sadd.s32 s1, s30  }
0xbb: {  	s0 =	sor.u32 s3, s0;
	s1 =	sshll.u32 s1, $0x11  }
0xbc: {  	s0 =	sor.u32 s1, s0  }
0xbd: {  	s0 =	sadd.s32 $0x8F2B, s0  }
0xbe: {  	[sflag:s0] =	ssyncadd.remote.s32 $0x1  }
0xbf: {  	_ =	sfence.sel $0xFFFF  }
0xc0: {  	[dreg:$0x0] =	wrdreg $0xFFFFFFFF;
	(pc) =	sbr.abs _section_cstart, $3  }
0xc1: {  	[dreg:$0x1] =	wrdreg $0xFFFFFFFF  }
0xc2: {  	_ =	task.clear_ibuf [dreg:s8], $0x2FFFF;
	_ =	strace $0x9FFFFFFF  }
0xc3: {  	(tm) =	ssettm $0x7FFFFFFF  }
tec
execute0_lowered:
.L_overlay_start_1:
0x0: {  	(tag) =	ssettag $0x1  }
0x1: {  	s1 =	srdreg.scid;
	s0 =	stileid.u32  }
0x2: {  	s8 =	rddreg [dreg:$0x0];
	s3 =	sand.u32 $0x1, s1;
	s30 =	sshll.u32 s0, $0x1  }
0x3: {  	s9 =	rddreg [dreg:$0x1];
	s4 =	simm.s32 $0x1;
	s7 =	sor.u32 s3, s30  }
0x4: {  	s2 =	simm.s32 $0x0;
	p0 =	seq.s32 s3, $0x1;
	p1 =	seq.s32 s7, $0x0  }
0x5: {  	s5 =	simm.s32 $0xA8000;
	s14 =	simm.s32 $0x400;
	p1 =	por !p1, !p0  }
0x6: {  	s15 =	simm.s32 $0x3;
	s1 =	rddreg [dreg:$0x2];
	p1 =	por !p1, !p1  }
0x7: {  	[smem:$0x7FF] =	sst s2;
	s12 =	sshll.u32 s0, $0x9;
	s4 =	simm.s32 @!p1 $0x0  }
0x8: {  	s3 =	ssub.s32 $0x2, s3;
	_ =	strace $0x80000047;
	s4 =	ssub.s32 s0, s4  }
0x9: {  	s12 =	sand.u32 $0x1800, s12;
	s6 =	sshrl.u32 s3, $0x1;
	s4 =	smul.u32 $0x150000, s4  }
0xa: {  	s5 =	simm.s32 @!p0 $0x0;
	s7 =	sshll.u32 s7, $0x4;
	s9 =	sadd.s32 s9, s12  }
0xb: {  	s12 =	simm.s32 $0x2;
	s10 =	ssub.s32 s3, s6;
	s11 =	sadd.s32 s5, s4  }
0xc: {  	s3 =	simm.s32 $0x1;
	s13 =	sand.u32 $0x70, s7;
	s4 =	sshrl.u32 s11, $0x3  }
0xd: {  	s5 =	sadd.s32 $0x2A000, s11;
	s31 =	sadd.s32 $0x54000, s11;
	s11 =	sadd.s32 $0x7E000, s11  }
0xe: {  	s4 =	sadd.s32 s8, s4;
	s5 =	sshrl.u32 s5, $0x3;
	s6 =	sshrl.u32 s31, $0x3  }
0xf: {  	s11 =	sshrl.u32 s11, $0x3;
	s5 =	sadd.s32 s8, s5;
	s6 =	sadd.s32 s8, s6  }
0x10: {  	v1 =	vlaneseq.u32;
	s7 =	sadd.s32 s8, s11;
	s8 =	sadd.s32 s13, s9;
	s9 =	smax.u32 s10, $0x1  }
0x11: {  	v0 =	vimm.s32 $0x0;
	v2 =	vimm.s32 $0x1;
	v1 =	vmul.u32 $0x800, v1;
	s10 =	simm.s32 $0x3800;
	s11 =	simm.s32 $0x7000;
	s13 =	simm.s32 $0x80  }
.LBB2_1:
0x12: {  	s16 =	simm.s32 $0x0;
	s17 =	simm.s32 $0x200  }
.LBB2_2:
0x13: {  	p0 =	sne.s32 s17, $0x1FE00;
	[tilespmem:s16+$0x7070] =	vst v0  }
0x14: {  	[tilespmem:s16+$0x7000] =	vst v0  }
0x15: {  	[tilespmem:s16+$0x7010] =	vst v0  }
.Ltmp0:
0x16: {  	[tilespmem:s16+$0x7020] =	vst v0;
	(pc) =	sbr.rel @p0 .LBB2_2-.Ltmp0, $4  }
0x17: {  	[tilespmem:s16+$0x7030] =	vst v0  }
0x18: {  	[tilespmem:s16+$0x7040] =	vst v0  }
0x19: {  	[tilespmem:s16+$0x7050] =	vst v0  }
0x1a: {  	[tilespmem:s16+$0x7060] =	vst v0;
	s16 =	sshra.s32 s17, $0x2;
	s17 =	sadd.s32 $0x200, s17  }
0x1b: {  	[tilespmem:s16+$0x7070] =	vst v0  }
0x1c: {  	[tilespmem:s16+$0x7000] =	vst v0  }
0x1d: {  	[tilespmem:s16+$0x7010] =	vst v0  }
0x1e: {  	[tilespmem:s16+$0x7020] =	vst v0  }
0x1f: {  	[tilespmem:s16+$0x7030] =	vst v0  }
0x20: {  	[tilespmem:s16+$0x7040] =	vst v0  }
0x21: {  	[tilespmem:s16+$0x7050] =	vst v0  }
0x22: {  	[tilespmem:s16+$0x7060] =	vst v0;
	s16 =	simm.s32 $0x0  }
0x23: {  	[tilespmem:s16], [sflag:$0x1] =	stream.linear.gather [hbm4b:s4+s16], $0x3800, $0x38;
	[tilespmem:$0xF000] =	vst v63  }
0x24: {  	_ = 	snop  }
0x25: {  	[tilespmem:s10], [sflag:$0x2] =	stream.linear.gather [hbm4b:s5+s16], $0x3800, $0x38;
	[tilespmem:$0xF000] =	vst v63  }
0x26: {  	_ =	swait.ge [sflag:s3], $0x3800  }
0x27: {  	[sflag:s3] =	ssyncset.done $0x0  }
0x28: {  	[sflag:s3] =	ssyncadd.s32 $0xFFFFC800  }
.LBB2_4:
0x29: {  	s17 =	sshra.s32 s16, $0x2  }
0x2a: {  	v3 =	vld [tilespmem:s17+$0x0];
	_ =	sdelay $0x4  }
0x2b: {  	v3 =	vmul.f32 $8.192000000e+03, v3;
	_ =	sdelay $0x1  }
0x2c: {  	v3 =	vadd.f32 $1.024000000e+03, v3;
	_ =	sdelay $0x1  }
0x2d: {  	v3 =	vmax.f32 v3, $0.0e+00  }
0x2e: {  	v3 =	vmin.f32 v3, $2.047000000e+03  }
0x2f: {  	v3 =	vtrunc.f32 v3  }
0x30: {  	v3 =	vcvt.f32.s32 v3;
	_ =	sdelay $0x1  }
0x31: {  	v3 =	vadd.s32 v1, v3;
	_ =	sdelay $0x4  }
0x32: {  	[tilespmem:v3+s11+$0x0] =	vst.idx.add.s32.msk $0xffff, v2  }
0x33: {  	v3 =	vld [tilespmem:s17+$0x10];
	_ =	sdelay $0x4  }
0x34: {  	v3 =	vmul.f32 $8.192000000e+03, v3;
	_ =	sdelay $0x1  }
0x35: {  	v3 =	vadd.f32 $1.024000000e+03, v3;
	_ =	sdelay $0x1  }
0x36: {  	v3 =	vmax.f32 v3, $0.0e+00  }
0x37: {  	v3 =	vmin.f32 v3, $2.047000000e+03  }
0x38: {  	v3 =	vtrunc.f32 v3  }
0x39: {  	v3 =	vcvt.f32.s32 v3;
	_ =	sdelay $0x1  }
0x3a: {  	v3 =	vadd.s32 v1, v3;
	_ =	sdelay $0x4  }
0x3b: {  	[tilespmem:v3+s11+$0x0] =	vst.idx.add.s32.msk $0xffff, v2  }
0x3c: {  	v3 =	vld [tilespmem:s17+$0x20];
	_ =	sdelay $0x4  }
0x3d: {  	v3 =	vmul.f32 $8.192000000e+03, v3;
	_ =	sdelay $0x1  }
0x3e: {  	v3 =	vadd.f32 $1.024000000e+03, v3;
	_ =	sdelay $0x1  }
0x3f: {  	v3 =	vmax.f32 v3, $0.0e+00  }
0x40: {  	v3 =	vmin.f32 v3, $2.047000000e+03  }
0x41: {  	v3 =	vtrunc.f32 v3  }
0x42: {  	v3 =	vcvt.f32.s32 v3;
	_ =	sdelay $0x1  }
0x43: {  	v3 =	vadd.s32 v1, v3;
	_ =	sdelay $0x4  }
0x44: {  	[tilespmem:v3+s11+$0x0] =	vst.idx.add.s32.msk $0xffff, v2  }
0x45: {  	v3 =	vld [tilespmem:s17+$0x30];
	_ =	sdelay $0x4  }
0x46: {  	v3 =	vmul.f32 $8.192000000e+03, v3;
	_ =	sdelay $0x1  }
0x47: {  	v3 =	vadd.f32 $1.024000000e+03, v3;
	_ =	sdelay $0x1  }
0x48: {  	v3 =	vmax.f32 v3, $0.0e+00  }
0x49: {  	v3 =	vmin.f32 v3, $2.047000000e+03  }
0x4a: {  	v3 =	vtrunc.f32 v3  }
0x4b: {  	v3 =	vcvt.f32.s32 v3;
	_ =	sdelay $0x1  }
0x4c: {  	v3 =	vadd.s32 v1, v3;
	_ =	sdelay $0x4  }
0x4d: {  	[tilespmem:v3+s11+$0x0] =	vst.idx.add.s32.msk $0xffff, v2  }
0x4e: {  	v3 =	vld [tilespmem:s17+$0x40];
	_ =	sdelay $0x4  }
0x4f: {  	v3 =	vmul.f32 $8.192000000e+03, v3;
	_ =	sdelay $0x1  }
0x50: {  	v3 =	vadd.f32 $1.024000000e+03, v3;
	_ =	sdelay $0x1  }
0x51: {  	v3 =	vmax.f32 v3, $0.0e+00  }
0x52: {  	v3 =	vmin.f32 v3, $2.047000000e+03  }
0x53: {  	v3 =	vtrunc.f32 v3  }
0x54: {  	v3 =	vcvt.f32.s32 v3;
	_ =	sdelay $0x1  }
0x55: {  	v3 =	vadd.s32 v1, v3;
	_ =	sdelay $0x4  }
0x56: {  	[tilespmem:v3+s11+$0x0] =	vst.idx.add.s32.msk $0xffff, v2  }
0x57: {  	v3 =	vld [tilespmem:s17+$0x50];
	_ =	sdelay $0x4  }
0x58: {  	v3 =	vmul.f32 $8.192000000e+03, v3;
	_ =	sdelay $0x1  }
0x59: {  	v3 =	vadd.f32 $1.024000000e+03, v3;
	_ =	sdelay $0x1  }
0x5a: {  	v3 =	vmax.f32 v3, $0.0e+00  }
0x5b: {  	v3 =	vmin.f32 v3, $2.047000000e+03  }
0x5c: {  	v3 =	vtrunc.f32 v3  }
0x5d: {  	v3 =	vcvt.f32.s32 v3;
	_ =	sdelay $0x1  }
0x5e: {  	v3 =	vadd.s32 v1, v3;
	_ =	sdelay $0x4  }
0x5f: {  	[tilespmem:v3+s11+$0x0] =	vst.idx.add.s32.msk $0xffff, v2  }
0x60: {  	v3 =	vld [tilespmem:s17+$0x60];
	_ =	sdelay $0x4  }
0x61: {  	v3 =	vmul.f32 $8.192000000e+03, v3;
	_ =	sdelay $0x1  }
0x62: {  	v3 =	vadd.f32 $1.024000000e+03, v3;
	_ =	sdelay $0x1  }
0x63: {  	v3 =	vmax.f32 v3, $0.0e+00  }
0x64: {  	v3 =	vmin.f32 v3, $2.047000000e+03  }
0x65: {  	v3 =	vtrunc.f32 v3  }
0x66: {  	v3 =	vcvt.f32.s32 v3;
	_ =	sdelay $0x1  }
0x67: {  	p0 =	sne.s32 s16, $0xDE00;
	v3 =	vadd.s32 v1, v3  }
.Ltmp1:
0x68: {  	_ = 	snop;
	(pc) =	sbr.rel @p0 .LBB2_4-.Ltmp1, $2  }
0x69: {  	_ =	sdelay $0x2  }
0x6a: {  	s16 =	sadd.s32 $0x200, s16;
	[tilespmem:v3+s11+$0x0] =	vst.idx.add.s32.msk $0xffff, v2  }
0x6b: {  	s16 =	simm.s32 $0x0  }
0x6c: {  	[tilespmem:s16], [sflag:$0x1] =	stream.linear.gather [hbm4b:s6+s16], $0x3800, $0x38;
	[tilespmem:$0xF000] =	vst v63  }
0x6d: {  	_ =	swait.ge [sflag:s12], $0x3800  }
0x6e: {  	[sflag:s12] =	ssyncset.done $0x0  }
0x6f: {  	[sflag:s12] =	ssyncadd.s32 $0xFFFFC800  }
.LBB2_6:
0x70: {  	s17 =	sshra.s32 s16, $0x2  }
0x71: {  	v3 =	vld [tilespmem:s17+$0x3800];
	_ =	sdelay $0x4  }
0x72: {  	v3 =	vmul.f32 $8.192000000e+03, v3;
	_ =	sdelay $0x1  }
0x73: {  	v3 =	vadd.f32 $1.024000000e+03, v3;
	_ =	sdelay $0x1  }
0x74: {  	v3 =	vmax.f32 v3, $0.0e+00  }
0x75: {  	v3 =	vmin.f32 v3, $2.047000000e+03  }
0x76: {  	v3 =	vtrunc.f32 v3  }
0x77: {  	v3 =	vcvt.f32.s32 v3;
	_ =	sdelay $0x1  }
0x78: {  	v3 =	vadd.s32 v1, v3;
	_ =	sdelay $0x4  }
0x79: {  	[tilespmem:v3+s11+$0x0] =	vst.idx.add.s32.msk $0xffff, v2  }
0x7a: {  	v3 =	vld [tilespmem:s17+$0x3810];
	_ =	sdelay $0x4  }
0x7b: {  	v3 =	vmul.f32 $8.192000000e+03, v3;
	_ =	sdelay $0x1  }
0x7c: {  	v3 =	vadd.f32 $1.024000000e+03, v3;
	_ =	sdelay $0x1  }
0x7d: {  	v3 =	vmax.f32 v3, $0.0e+00  }
0x7e: {  	v3 =	vmin.f32 v3, $2.047000000e+03  }
0x7f: {  	v3 =	vtrunc.f32 v3  }
0x80: {  	v3 =	vcvt.f32.s32 v3;
	_ =	sdelay $0x1  }
0x81: {  	v3 =	vadd.s32 v1, v3;
	_ =	sdelay $0x4  }
0x82: {  	[tilespmem:v3+s11+$0x0] =	vst.idx.add.s32.msk $0xffff, v2  }
0x83: {  	v3 =	vld [tilespmem:s17+$0x3820];
	_ =	sdelay $0x4  }
0x84: {  	v3 =	vmul.f32 $8.192000000e+03, v3;
	_ =	sdelay $0x1  }
0x85: {  	v3 =	vadd.f32 $1.024000000e+03, v3;
	_ =	sdelay $0x1  }
0x86: {  	v3 =	vmax.f32 v3, $0.0e+00  }
0x87: {  	v3 =	vmin.f32 v3, $2.047000000e+03  }
0x88: {  	v3 =	vtrunc.f32 v3  }
0x89: {  	v3 =	vcvt.f32.s32 v3;
	_ =	sdelay $0x1  }
0x8a: {  	v3 =	vadd.s32 v1, v3;
	_ =	sdelay $0x4  }
0x8b: {  	[tilespmem:v3+s11+$0x0] =	vst.idx.add.s32.msk $0xffff, v2  }
0x8c: {  	v3 =	vld [tilespmem:s17+$0x3830];
	_ =	sdelay $0x4  }
0x8d: {  	v3 =	vmul.f32 $8.192000000e+03, v3;
	_ =	sdelay $0x1  }
0x8e: {  	v3 =	vadd.f32 $1.024000000e+03, v3;
	_ =	sdelay $0x1  }
0x8f: {  	v3 =	vmax.f32 v3, $0.0e+00  }
0x90: {  	v3 =	vmin.f32 v3, $2.047000000e+03  }
0x91: {  	v3 =	vtrunc.f32 v3  }
0x92: {  	v3 =	vcvt.f32.s32 v3;
	_ =	sdelay $0x1  }
0x93: {  	v3 =	vadd.s32 v1, v3;
	_ =	sdelay $0x4  }
0x94: {  	[tilespmem:v3+s11+$0x0] =	vst.idx.add.s32.msk $0xffff, v2  }
0x95: {  	v3 =	vld [tilespmem:s17+$0x3840];
	_ =	sdelay $0x4  }
0x96: {  	v3 =	vmul.f32 $8.192000000e+03, v3;
	_ =	sdelay $0x1  }
0x97: {  	v3 =	vadd.f32 $1.024000000e+03, v3;
	_ =	sdelay $0x1  }
0x98: {  	v3 =	vmax.f32 v3, $0.0e+00  }
0x99: {  	v3 =	vmin.f32 v3, $2.047000000e+03  }
0x9a: {  	v3 =	vtrunc.f32 v3  }
0x9b: {  	v3 =	vcvt.f32.s32 v3;
	_ =	sdelay $0x1  }
0x9c: {  	v3 =	vadd.s32 v1, v3;
	_ =	sdelay $0x4  }
0x9d: {  	[tilespmem:v3+s11+$0x0] =	vst.idx.add.s32.msk $0xffff, v2  }
0x9e: {  	v3 =	vld [tilespmem:s17+$0x3850];
	_ =	sdelay $0x4  }
0x9f: {  	v3 =	vmul.f32 $8.192000000e+03, v3;
	_ =	sdelay $0x1  }
0xa0: {  	v3 =	vadd.f32 $1.024000000e+03, v3;
	_ =	sdelay $0x1  }
0xa1: {  	v3 =	vmax.f32 v3, $0.0e+00  }
0xa2: {  	v3 =	vmin.f32 v3, $2.047000000e+03  }
0xa3: {  	v3 =	vtrunc.f32 v3  }
0xa4: {  	v3 =	vcvt.f32.s32 v3;
	_ =	sdelay $0x1  }
0xa5: {  	v3 =	vadd.s32 v1, v3;
	_ =	sdelay $0x4  }
0xa6: {  	[tilespmem:v3+s11+$0x0] =	vst.idx.add.s32.msk $0xffff, v2  }
0xa7: {  	v3 =	vld [tilespmem:s17+$0x3860];
	_ =	sdelay $0x4  }
0xa8: {  	v3 =	vmul.f32 $8.192000000e+03, v3;
	_ =	sdelay $0x1  }
0xa9: {  	v3 =	vadd.f32 $1.024000000e+03, v3;
	_ =	sdelay $0x1  }
0xaa: {  	v3 =	vmax.f32 v3, $0.0e+00  }
0xab: {  	v3 =	vmin.f32 v3, $2.047000000e+03  }
0xac: {  	v3 =	vtrunc.f32 v3  }
0xad: {  	v3 =	vcvt.f32.s32 v3;
	_ =	sdelay $0x1  }
0xae: {  	p0 =	sne.s32 s16, $0xDE00;
	v3 =	vadd.s32 v1, v3  }
.Ltmp2:
0xaf: {  	_ = 	snop;
	(pc) =	sbr.rel @p0 .LBB2_6-.Ltmp2, $2  }
0xb0: {  	_ =	sdelay $0x2  }
0xb1: {  	s16 =	sadd.s32 $0x200, s16;
	[tilespmem:v3+s11+$0x0] =	vst.idx.add.s32.msk $0xffff, v2  }
0xb2: {  	s16 =	simm.s32 $0x0  }
0xb3: {  	[tilespmem:s10], [sflag:$0x2] =	stream.linear.gather [hbm4b:s7+s16], $0x3800, $0x38;
	[tilespmem:$0xF000] =	vst v63  }
0xb4: {  	_ =	swait.ge [sflag:s3], $0x3800  }
0xb5: {  	[sflag:s3] =	ssyncset.done $0x0  }
0xb6: {  	[sflag:s3] =	ssyncadd.s32 $0xFFFFC800  }
.LBB2_8:
0xb7: {  	s17 =	sshra.s32 s16, $0x2  }
0xb8: {  	v3 =	vld [tilespmem:s17+$0x0];
	_ =	sdelay $0x4  }
0xb9: {  	v3 =	vmul.f32 $8.192000000e+03, v3;
	_ =	sdelay $0x1  }
0xba: {  	v3 =	vadd.f32 $1.024000000e+03, v3;
	_ =	sdelay $0x1  }
0xbb: {  	v3 =	vmax.f32 v3, $0.0e+00  }
0xbc: {  	v3 =	vmin.f32 v3, $2.047000000e+03  }
0xbd: {  	v3 =	vtrunc.f32 v3  }
0xbe: {  	v3 =	vcvt.f32.s32 v3;
	_ =	sdelay $0x1  }
0xbf: {  	v3 =	vadd.s32 v1, v3;
	_ =	sdelay $0x4  }
0xc0: {  	[tilespmem:v3+s11+$0x0] =	vst.idx.add.s32.msk $0xffff, v2  }
0xc1: {  	v3 =	vld [tilespmem:s17+$0x10];
	_ =	sdelay $0x4  }
0xc2: {  	v3 =	vmul.f32 $8.192000000e+03, v3;
	_ =	sdelay $0x1  }
0xc3: {  	v3 =	vadd.f32 $1.024000000e+03, v3;
	_ =	sdelay $0x1  }
0xc4: {  	v3 =	vmax.f32 v3, $0.0e+00  }
0xc5: {  	v3 =	vmin.f32 v3, $2.047000000e+03  }
0xc6: {  	v3 =	vtrunc.f32 v3  }
0xc7: {  	v3 =	vcvt.f32.s32 v3;
	_ =	sdelay $0x1  }
0xc8: {  	v3 =	vadd.s32 v1, v3;
	_ =	sdelay $0x4  }
0xc9: {  	[tilespmem:v3+s11+$0x0] =	vst.idx.add.s32.msk $0xffff, v2  }
0xca: {  	v3 =	vld [tilespmem:s17+$0x20];
	_ =	sdelay $0x4  }
0xcb: {  	v3 =	vmul.f32 $8.192000000e+03, v3;
	_ =	sdelay $0x1  }
0xcc: {  	v3 =	vadd.f32 $1.024000000e+03, v3;
	_ =	sdelay $0x1  }
0xcd: {  	v3 =	vmax.f32 v3, $0.0e+00  }
0xce: {  	v3 =	vmin.f32 v3, $2.047000000e+03  }
0xcf: {  	v3 =	vtrunc.f32 v3  }
0xd0: {  	v3 =	vcvt.f32.s32 v3;
	_ =	sdelay $0x1  }
0xd1: {  	v3 =	vadd.s32 v1, v3;
	_ =	sdelay $0x4  }
0xd2: {  	[tilespmem:v3+s11+$0x0] =	vst.idx.add.s32.msk $0xffff, v2  }
0xd3: {  	v3 =	vld [tilespmem:s17+$0x30];
	_ =	sdelay $0x4  }
0xd4: {  	v3 =	vmul.f32 $8.192000000e+03, v3;
	_ =	sdelay $0x1  }
0xd5: {  	v3 =	vadd.f32 $1.024000000e+03, v3;
	_ =	sdelay $0x1  }
0xd6: {  	v3 =	vmax.f32 v3, $0.0e+00  }
0xd7: {  	v3 =	vmin.f32 v3, $2.047000000e+03  }
0xd8: {  	v3 =	vtrunc.f32 v3  }
0xd9: {  	v3 =	vcvt.f32.s32 v3;
	_ =	sdelay $0x1  }
0xda: {  	v3 =	vadd.s32 v1, v3;
	_ =	sdelay $0x4  }
0xdb: {  	[tilespmem:v3+s11+$0x0] =	vst.idx.add.s32.msk $0xffff, v2  }
0xdc: {  	v3 =	vld [tilespmem:s17+$0x40];
	_ =	sdelay $0x4  }
0xdd: {  	v3 =	vmul.f32 $8.192000000e+03, v3;
	_ =	sdelay $0x1  }
0xde: {  	v3 =	vadd.f32 $1.024000000e+03, v3;
	_ =	sdelay $0x1  }
0xdf: {  	v3 =	vmax.f32 v3, $0.0e+00  }
0xe0: {  	v3 =	vmin.f32 v3, $2.047000000e+03  }
0xe1: {  	v3 =	vtrunc.f32 v3  }
0xe2: {  	v3 =	vcvt.f32.s32 v3;
	_ =	sdelay $0x1  }
0xe3: {  	v3 =	vadd.s32 v1, v3;
	_ =	sdelay $0x4  }
0xe4: {  	[tilespmem:v3+s11+$0x0] =	vst.idx.add.s32.msk $0xffff, v2  }
0xe5: {  	v3 =	vld [tilespmem:s17+$0x50];
	_ =	sdelay $0x4  }
0xe6: {  	v3 =	vmul.f32 $8.192000000e+03, v3;
	_ =	sdelay $0x1  }
0xe7: {  	v3 =	vadd.f32 $1.024000000e+03, v3;
	_ =	sdelay $0x1  }
0xe8: {  	v3 =	vmax.f32 v3, $0.0e+00  }
0xe9: {  	v3 =	vmin.f32 v3, $2.047000000e+03  }
0xea: {  	v3 =	vtrunc.f32 v3  }
0xeb: {  	v3 =	vcvt.f32.s32 v3;
	_ =	sdelay $0x1  }
0xec: {  	v3 =	vadd.s32 v1, v3;
	_ =	sdelay $0x4  }
0xed: {  	[tilespmem:v3+s11+$0x0] =	vst.idx.add.s32.msk $0xffff, v2  }
0xee: {  	v3 =	vld [tilespmem:s17+$0x60];
	_ =	sdelay $0x4  }
0xef: {  	v3 =	vmul.f32 $8.192000000e+03, v3;
	_ =	sdelay $0x1  }
0xf0: {  	v3 =	vadd.f32 $1.024000000e+03, v3;
	_ =	sdelay $0x1  }
0xf1: {  	v3 =	vmax.f32 v3, $0.0e+00  }
0xf2: {  	v3 =	vmin.f32 v3, $2.047000000e+03  }
0xf3: {  	v3 =	vtrunc.f32 v3  }
0xf4: {  	v3 =	vcvt.f32.s32 v3;
	_ =	sdelay $0x1  }
0xf5: {  	p0 =	sne.s32 s16, $0xDE00;
	v3 =	vadd.s32 v1, v3  }
.Ltmp3:
0xf6: {  	_ = 	snop;
	(pc) =	sbr.rel @p0 .LBB2_8-.Ltmp3, $2  }
0xf7: {  	_ =	sdelay $0x2  }
0xf8: {  	s16 =	sadd.s32 $0x200, s16;
	[tilespmem:v3+s11+$0x0] =	vst.idx.add.s32.msk $0xffff, v2  }
0xf9: {  	_ =	swait.ge [sflag:s12], $0x3800  }
0xfa: {  	[sflag:s12] =	ssyncset.done $0x0  }
0xfb: {  	s18 =	simm.s32 $0x0;
	s17 =	simm.s32 $0x0;
	[sflag:s12] =	ssyncadd.s32 $0xFFFFC800  }
.LBB2_10:
0xfc: {  	s19 =	sshra.s32 s17, $0x2  }
0xfd: {  	v3 =	vld [tilespmem:s19+$0x3800];
	_ =	sdelay $0x4  }
0xfe: {  	v3 =	vmul.f32 $8.192000000e+03, v3;
	_ =	sdelay $0x1  }
0xff: {  	v3 =	vadd.f32 $1.024000000e+03, v3;
	_ =	sdelay $0x1  }
0x100: {  	v3 =	vmax.f32 v3, $0.0e+00  }
0x101: {  	v3 =	vmin.f32 v3, $2.047000000e+03  }
0x102: {  	v3 =	vtrunc.f32 v3  }
0x103: {  	v3 =	vcvt.f32.s32 v3;
	_ =	sdelay $0x1  }
0x104: {  	v3 =	vadd.s32 v1, v3;
	_ =	sdelay $0x3  }
0x105: {  	s16 =	simm.s32 $0x7000  }
0x106: {  	[tilespmem:v3+s16+$0x0] =	vst.idx.add.s32.msk $0xffff, v2  }
0x107: {  	v3 =	vld [tilespmem:s19+$0x3810];
	_ =	sdelay $0x4  }
0x108: {  	v3 =	vmul.f32 $8.192000000e+03, v3;
	_ =	sdelay $0x1  }
0x109: {  	v3 =	vadd.f32 $1.024000000e+03, v3;
	_ =	sdelay $0x1  }
0x10a: {  	v3 =	vmax.f32 v3, $0.0e+00  }
0x10b: {  	v3 =	vmin.f32 v3, $2.047000000e+03  }
0x10c: {  	v3 =	vtrunc.f32 v3  }
0x10d: {  	v3 =	vcvt.f32.s32 v3;
	_ =	sdelay $0x1  }
0x10e: {  	v3 =	vadd.s32 v1, v3;
	_ =	sdelay $0x4  }
0x10f: {  	[tilespmem:v3+s16+$0x0] =	vst.idx.add.s32.msk $0xffff, v2  }
0x110: {  	v3 =	vld [tilespmem:s19+$0x3820];
	_ =	sdelay $0x4  }
0x111: {  	v3 =	vmul.f32 $8.192000000e+03, v3;
	_ =	sdelay $0x1  }
0x112: {  	v3 =	vadd.f32 $1.024000000e+03, v3;
	_ =	sdelay $0x1  }
0x113: {  	v3 =	vmax.f32 v3, $0.0e+00  }
0x114: {  	v3 =	vmin.f32 v3, $2.047000000e+03  }
0x115: {  	v3 =	vtrunc.f32 v3  }
0x116: {  	v3 =	vcvt.f32.s32 v3;
	_ =	sdelay $0x1  }
0x117: {  	v3 =	vadd.s32 v1, v3;
	_ =	sdelay $0x4  }
0x118: {  	[tilespmem:v3+s16+$0x0] =	vst.idx.add.s32.msk $0xffff, v2  }
0x119: {  	v3 =	vld [tilespmem:s19+$0x3830];
	_ =	sdelay $0x4  }
0x11a: {  	v3 =	vmul.f32 $8.192000000e+03, v3;
	_ =	sdelay $0x1  }
0x11b: {  	v3 =	vadd.f32 $1.024000000e+03, v3;
	_ =	sdelay $0x1  }
0x11c: {  	v3 =	vmax.f32 v3, $0.0e+00  }
0x11d: {  	v3 =	vmin.f32 v3, $2.047000000e+03  }
0x11e: {  	v3 =	vtrunc.f32 v3  }
0x11f: {  	v3 =	vcvt.f32.s32 v3;
	_ =	sdelay $0x1  }
0x120: {  	v3 =	vadd.s32 v1, v3;
	_ =	sdelay $0x4  }
0x121: {  	[tilespmem:v3+s16+$0x0] =	vst.idx.add.s32.msk $0xffff, v2  }
0x122: {  	v3 =	vld [tilespmem:s19+$0x3840];
	_ =	sdelay $0x4  }
0x123: {  	v3 =	vmul.f32 $8.192000000e+03, v3;
	_ =	sdelay $0x1  }
0x124: {  	v3 =	vadd.f32 $1.024000000e+03, v3;
	_ =	sdelay $0x1  }
0x125: {  	v3 =	vmax.f32 v3, $0.0e+00  }
0x126: {  	v3 =	vmin.f32 v3, $2.047000000e+03  }
0x127: {  	v3 =	vtrunc.f32 v3  }
0x128: {  	v3 =	vcvt.f32.s32 v3;
	_ =	sdelay $0x1  }
0x129: {  	v3 =	vadd.s32 v1, v3;
	_ =	sdelay $0x4  }
0x12a: {  	[tilespmem:v3+s16+$0x0] =	vst.idx.add.s32.msk $0xffff, v2  }
0x12b: {  	v3 =	vld [tilespmem:s19+$0x3850];
	_ =	sdelay $0x4  }
0x12c: {  	v3 =	vmul.f32 $8.192000000e+03, v3;
	_ =	sdelay $0x1  }
0x12d: {  	v3 =	vadd.f32 $1.024000000e+03, v3;
	_ =	sdelay $0x1  }
0x12e: {  	v3 =	vmax.f32 v3, $0.0e+00  }
0x12f: {  	v3 =	vmin.f32 v3, $2.047000000e+03  }
0x130: {  	v3 =	vtrunc.f32 v3  }
0x131: {  	v3 =	vcvt.f32.s32 v3;
	_ =	sdelay $0x1  }
0x132: {  	v3 =	vadd.s32 v1, v3;
	_ =	sdelay $0x4  }
0x133: {  	[tilespmem:v3+s16+$0x0] =	vst.idx.add.s32.msk $0xffff, v2  }
0x134: {  	v3 =	vld [tilespmem:s19+$0x3860];
	_ =	sdelay $0x4  }
0x135: {  	v3 =	vmul.f32 $8.192000000e+03, v3;
	_ =	sdelay $0x1  }
0x136: {  	v3 =	vadd.f32 $1.024000000e+03, v3;
	_ =	sdelay $0x1  }
0x137: {  	v3 =	vmax.f32 v3, $0.0e+00  }
0x138: {  	v3 =	vmin.f32 v3, $2.047000000e+03  }
0x139: {  	v3 =	vtrunc.f32 v3  }
0x13a: {  	v3 =	vcvt.f32.s32 v3;
	_ =	sdelay $0x1  }
0x13b: {  	p0 =	sne.s32 s17, $0xDE00;
	v3 =	vadd.s32 v1, v3  }
.Ltmp4:
0x13c: {  	_ = 	snop;
	(pc) =	sbr.rel @p0 .LBB2_10-.Ltmp4, $2  }
0x13d: {  	_ =	sdelay $0x2  }
0x13e: {  	s17 =	sadd.s32 $0x200, s17;
	[tilespmem:v3+s16+$0x0] =	vst.idx.add.s32.msk $0xffff, v2  }
0x13f: {  	s17 =	sand.u32 $0x7F0, s18  }
0x140: {  	s18 =	sadd.s32 $0x10, s18;
	v3 =	vld [tilespmem:s17+$0x7800]  }
.LBB2_12:
0x141: {  	p0 =	sne.s32 s18, $0x7F0;
	v4 =	vld [tilespmem:s16+$0x0]  }
0x142: {  	v5 =	vld [tilespmem:s17+$0x8000]  }
0x143: {  	v6 =	vld [tilespmem:s17+$0x8800]  }
0x144: {  	v7 =	vld [tilespmem:s17+$0x9000]  }
0x145: {  	v8 =	vld [tilespmem:s17+$0x9800]  }
0x146: {  	v3 =	vadd.s32 v4, v3;
	v4 =	vld [tilespmem:s17+$0xA000]  }
0x147: {  	v3 =	vadd.s32 v5, v3;
	v5 =	vld [tilespmem:s17+$0xA800]  }
0x148: {  	v3 =	vadd.s32 v6, v3;
	v6 =	vld [tilespmem:s17+$0xB000]  }
0x149: {  	v3 =	vadd.s32 v7, v3;
	v7 =	vld [tilespmem:s17+$0xB800]  }
0x14a: {  	v3 =	vadd.s32 v8, v3;
	v8 =	vld [tilespmem:s17+$0xC000]  }
0x14b: {  	v3 =	vadd.s32 v4, v3;
	v4 =	vld [tilespmem:s17+$0xC800]  }
0x14c: {  	v3 =	vadd.s32 v5, v3;
	v5 =	vld [tilespmem:s17+$0xD000]  }
0x14d: {  	v3 =	vadd.s32 v6, v3;
	v6 =	vld [tilespmem:s17+$0xD800]  }
0x14e: {  	v3 =	vadd.s32 v7, v3;
	v7 =	vld [tilespmem:s17+$0xE000]  }
0x14f: {  	v3 =	vadd.s32 v8, v3;
	v8 =	vld [tilespmem:s17+$0xE800]  }
0x150: {  	v3 =	vadd.s32 v4, v3  }
0x151: {  	v3 =	vadd.s32 v5, v3  }
.Ltmp5:
0x152: {  	v3 =	vadd.s32 v6, v3;
	(pc) =	sbr.rel @p0 .LBB2_12-.Ltmp5, $4  }
0x153: {  	v3 =	vadd.s32 v7, v3  }
0x154: {  	v3 =	vadd.s32 v8, v3  }
0x155: {  	s17 =	sand.u32 $0x7F0, s18;
	[tilespmem:s16+$0x0] =	vst v3  }
0x156: {  	s18 =	sadd.s32 $0x10, s18;
	s16 =	sadd.s32 $0x10, s16;
	v3 =	vld [tilespmem:s17+$0x7800]  }
0x157: {  	v4 =	vld [tilespmem:s16+$0x0]  }
0x158: {  	v5 =	vld [tilespmem:s17+$0x8000]  }
0x159: {  	v6 =	vld [tilespmem:s17+$0x8800]  }
0x15a: {  	v7 =	vld [tilespmem:s17+$0x9000]  }
0x15b: {  	v8 =	vld [tilespmem:s17+$0x9800]  }
0x15c: {  	v54 =	vld [tilespmem:s17+$0xA000];
	v3 =	vadd.s32 v4, v3  }
0x15d: {  	v55 =	vld [tilespmem:s17+$0xA800];
	v3 =	vadd.s32 v5, v3  }
0x15e: {  	v56 =	vld [tilespmem:s17+$0xB000];
	v3 =	vadd.s32 v6, v3  }
0x15f: {  	v57 =	vld [tilespmem:s17+$0xB800];
	v3 =	vadd.s32 v7, v3  }
0x160: {  	v58 =	vld [tilespmem:s17+$0xC000];
	v3 =	vadd.s32 v8, v3  }
0x161: {  	v59 =	vld [tilespmem:s17+$0xC800];
	v3 =	vadd.s32 v54, v3  }
0x162: {  	v60 =	vld [tilespmem:s17+$0xD000];
	v3 =	vadd.s32 v55, v3  }
0x163: {  	v61 =	vld [tilespmem:s17+$0xD800];
	v3 =	vadd.s32 v56, v3  }
0x164: {  	v62 =	vld [tilespmem:s17+$0xE000];
	v3 =	vadd.s32 v57, v3  }
0x165: {  	v63 =	vld [tilespmem:s17+$0xE800];
	v3 =	vadd.s32 v58, v3  }
0x166: {  	v3 =	vadd.s32 v59, v3  }
0x167: {  	v3 =	vadd.s32 v60, v3  }
0x168: {  	v3 =	vadd.s32 v61, v3  }
0x169: {  	s2 =	sadd.s32 $0x1, s2;
	v3 =	vadd.s32 v62, v3  }
0x16a: {  	p0 =	sne.s32 s2, s9;
	v3 =	vadd.s32 v63, v3  }
.Ltmp6:
0x16b: {  	[tilespmem:s16+$0x0] =	vst v3;
	(pc) =	sbr.rel @p0 .LBB2_1-.Ltmp6, $4  }
0x16c: {  	[hbm4b:s8+s13] =	stream.strided.scatter [tilespmem:s11], [sflag:$0x3], $0x800, s14, s13, $0x38;
	[tilespmem:$0xF000] =	vst v63  }
0x16d: {  	_ =	swait.ge [sflag:s15], $0x800  }
0x16e: {  	[sflag:s15] =	ssyncset.done $0x0  }
0x16f: {  	[sflag:s15] =	ssyncadd.s32 $0xFFFFF800  }
0x170: {  	_ =	sfence.sel $0x180000  }
0x171: {  	[bflag:$0x0] =	sbarrier.arrive $0xFFFF  }
0x172: {  	p0 =	sne.s32 s0, $0x0;
	_ =	strace $0x90000047  }
0x173: {  	s0 =	sadd.s32 @!p0 $0x100000, s1;
	[bflag:$0x2] =	sbarrier.arrive $0xFFFF  }
0x174: {  	[sflag:s0] =	ssyncadd.tile.s32 @!p0 $0x1;
	_ =	shalt  }
.Lfunc_end2:
_tile_overlayer_lowered:
.L_overlay_start_2:
0x175: {  	(tag) =	ssettag $0x2  }
0x176: {  	s0 =	rddreg [dreg:$0x0];
	s2 =	stileid.u32  }
0x177: {  	s1 =	rddreg [dreg:$0x1];
	p0 =	sne.s32 s2, $0x0  }
0x178: {  	s3 =	rddreg [dreg:$0x2];
	[bflag:$0x3] =	sbarrier.arrive $0xFFFF;
	s2 =	simm.s32 @!p0 $0x1C03  }
0x179: {  	[timem:s3], [sflag:s2] =	dma.local @!p0 [hbm:s0], s1  }
0x17a: {  	s0 =	simm.s32 @!p0 $0x3  }
0x17b: {  	_ =	swait.ge @!p0 [sflag:s0], s1  }
0x17c: {  	s1 =	ssub.s32 @!p0 $0x0, s1;
	[sflag:s0] =	ssyncset.done @!p0 $0x0  }
0x17d: {  	[sflag:s0] =	ssyncadd.s32 @!p0 s1  }
0x17e: {  	[bflag:$0x3] =	sbarrier.arrive $0xFFFF  }
0x17f: {  	_ =	shalt  }

</sc_bundles>
